<compile_context>
chip_gen: v7x
topology: tpu7x:2x2x1
jax: 0.10.2.dev20260603
libtpu: 0.0.44.dev20260713+nightly
codegen_flags: <defaults>
</compile_context>

<pallas_src>
import functools

import jax
import jax.numpy as jnp
from jax import lax
from jax.experimental import pallas as pl
from jax.experimental.pallas import tpu as pltpu
from jax.experimental.pallas import tpu_sc as plsc

N_NODES = 10000
IN_CH = 128
HID_CH = 128
OUT_CH = 64
N_EDGES = 320000

NC = 2
NS = 16
NW = NC * NS
CH = 128
NPAD = 10240
RPT = NPAD // NS
RZ = 128

_mesh = plsc.VectorSubcoreMesh(core_axis_name="c", subcore_axis_name="s")


@functools.lru_cache(maxsize=None)
def _sc_degree():
    nchunk = N_EDGES // CH

    @functools.partial(
        pl.kernel,
        out_type=jax.ShapeDtypeStruct((NC, NPAD, 16), jnp.float32),
        mesh=_mesh,
        compiler_params=pltpu.CompilerParams(use_tc_tiling_on_sc=False),
        scratch_types=[
            pltpu.VMEM((CH,), jnp.int32),
            pltpu.VMEM((CH, 16), jnp.float32),
            pltpu.VMEM((RPT, 16), jnp.float32),
            pltpu.VMEM_SHARED((NPAD, 16), jnp.float32),
        ],
    )
    def degree(dst_hbm, ones_hbm, zero_hbm, out_hbm, didx, ones_v, stage, acc):
        cid = lax.axis_index("c")
        sid = lax.axis_index("s")
        wid = sid * NC + cid
        base = sid * RPT
        pltpu.sync_copy(ones_hbm, ones_v)
        pltpu.sync_copy(zero_hbm, stage)
        pltpu.sync_copy(stage, acc.at[pl.ds(base, RPT)])
        plsc.subcore_barrier()
        nmine = (nchunk - wid + NW - 1) // NW

        def body(i, carry):
            off = (wid + i * NW) * CH
            pltpu.sync_copy(dst_hbm.at[pl.ds(off, CH)], didx)
            pltpu.sync_copy(ones_v, acc.at[didx], add=True)
            return carry

        lax.fori_loop(0, nmine, body, 0)
        plsc.subcore_barrier()
        pltpu.sync_copy(acc.at[pl.ds(base, RPT)], stage)
        pltpu.sync_copy(stage, out_hbm.at[cid, pl.ds(base, RPT)])

    return degree


@functools.lru_cache(maxsize=None)
def _sc_scatter(D):
    nchunk = N_EDGES // CH

    @functools.partial(
        pl.kernel,
        out_type=jax.ShapeDtypeStruct((NC, NPAD, D), jnp.float32),
        mesh=_mesh,
        compiler_params=pltpu.CompilerParams(use_tc_tiling_on_sc=False),
        scratch_types=[
            pltpu.VMEM((CH,), jnp.int32),
            pltpu.VMEM((CH,), jnp.int32),
            pltpu.VMEM((CH, D), jnp.float32),
            pltpu.VMEM((RZ, D), jnp.float32),
            pltpu.VMEM_SHARED((NPAD, D), jnp.float32),
            pltpu.SemaphoreType.DMA,
        ],
    )
    def scatter(h_hbm, src_hbm, dst_hbm, zero_hbm, out_hbm,
                sidx, didx, rows, stage, acc, sem):
        cid = lax.axis_index("c")
        sid = lax.axis_index("s")
        wid = sid * NC + cid
        base = sid * RPT
        pltpu.sync_copy(zero_hbm, stage)
        for j in range(RPT // RZ):
            pltpu.sync_copy(stage, acc.at[pl.ds(base + j * RZ, RZ)])
        plsc.subcore_barrier()
        nmine = (nchunk - wid + NW - 1) // NW

        def body(i, carry):
            off = (wid + i * NW) * CH
            pltpu.sync_copy(src_hbm.at[pl.ds(off, CH)], sidx)
            pltpu.sync_copy(dst_hbm.at[pl.ds(off, CH)], didx)
            pltpu.async_copy(h_hbm.at[sidx], rows, sem).wait()
            pltpu.sync_copy(rows, acc.at[didx], add=True)
            return carry

        lax.fori_loop(0, nmine, body, 0)
        plsc.subcore_barrier()
        for j in range(RPT // RZ):
            r0 = base + j * RZ
            pltpu.sync_copy(acc.at[pl.ds(r0, RZ)], stage)
            pltpu.sync_copy(stage, out_hbm.at[cid, pl.ds(r0, RZ)])

    return scatter


BLK = 1000


def _dinv_block(d0, d1):
    deg = d0[:, :1] + d1[:, :1] + 1.0
    return lax.rsqrt(deg)


def _tc_first(x, W1, d0, d1):
    def body(x_ref, w_ref, d0_ref, d1_ref, o_ref):
        dinv = _dinv_block(d0_ref[...], d1_ref[...])
        h = jnp.dot(x_ref[...], w_ref[...], preferred_element_type=jnp.float32)
        o_ref[...] = h * dinv

    return pl.pallas_call(
        body,
        grid=(N_NODES // BLK,),
        in_specs=[
            pl.BlockSpec((BLK, IN_CH), lambda i: (i, 0)),
            pl.BlockSpec((IN_CH, HID_CH), lambda i: (0, 0)),
            pl.BlockSpec((BLK, 16), lambda i: (i, 0)),
            pl.BlockSpec((BLK, 16), lambda i: (i, 0)),
        ],
        out_specs=pl.BlockSpec((BLK, HID_CH), lambda i: (i, 0)),
        out_shape=jax.ShapeDtypeStruct((N_NODES, HID_CH), jnp.float32),
    )(x, W1, d0, d1)


def _tc_mid(p0, p1, h1p, d0, d1, b1, W2):
    def body(p0_ref, p1_ref, h_ref, d0_ref, d1_ref, b_ref, w_ref, o_ref):
        dinv = _dinv_block(d0_ref[...], d1_ref[...])
        z = (p0_ref[...] + p1_ref[...] + h_ref[...]) * dinv + b_ref[...]
        t = jnp.maximum(z, 0.0)
        o_ref[...] = jnp.dot(t, w_ref[...],
                             preferred_element_type=jnp.float32) * dinv

    return pl.pallas_call(
        body,
        grid=(N_NODES // BLK,),
        in_specs=[
            pl.BlockSpec((BLK, HID_CH), lambda i: (i, 0)),
            pl.BlockSpec((BLK, HID_CH), lambda i: (i, 0)),
            pl.BlockSpec((BLK, HID_CH), lambda i: (i, 0)),
            pl.BlockSpec((BLK, 16), lambda i: (i, 0)),
            pl.BlockSpec((BLK, 16), lambda i: (i, 0)),
            pl.BlockSpec((HID_CH,), lambda i: (0,)),
            pl.BlockSpec((HID_CH, OUT_CH), lambda i: (0, 0)),
        ],
        out_specs=pl.BlockSpec((BLK, OUT_CH), lambda i: (i, 0)),
        out_shape=jax.ShapeDtypeStruct((N_NODES, OUT_CH), jnp.float32),
    )(p0, p1, h1p, d0, d1, b1, W2)


def _tc_final(q0, q1, h2p, d0, d1, b2):
    def body(q0_ref, q1_ref, h_ref, d0_ref, d1_ref, b_ref, o_ref):
        dinv = _dinv_block(d0_ref[...], d1_ref[...])
        o_ref[...] = (q0_ref[...] + q1_ref[...] + h_ref[...]) * dinv + b_ref[...]

    return pl.pallas_call(
        body,
        grid=(N_NODES // BLK,),
        in_specs=[
            pl.BlockSpec((BLK, OUT_CH), lambda i: (i, 0)),
            pl.BlockSpec((BLK, OUT_CH), lambda i: (i, 0)),
            pl.BlockSpec((BLK, OUT_CH), lambda i: (i, 0)),
            pl.BlockSpec((BLK, 16), lambda i: (i, 0)),
            pl.BlockSpec((BLK, 16), lambda i: (i, 0)),
            pl.BlockSpec((OUT_CH,), lambda i: (0,)),
        ],
        out_specs=pl.BlockSpec((BLK, OUT_CH), lambda i: (i, 0)),
        out_shape=jax.ShapeDtypeStruct((N_NODES, OUT_CH), jnp.float32),
    )(q0, q1, h2p, d0, d1, b2)


def kernel(x, edge_index, W1, b1, W2, b2):
    ei = edge_index.astype(jnp.int32)
    src, dst = ei[0], ei[1]
    ones16 = jnp.ones((CH, 16), jnp.float32)
    zeros16 = jnp.zeros((RPT, 16), jnp.float32)
    zeros128 = jnp.zeros((RZ, HID_CH), jnp.float32)
    zeros64 = jnp.zeros((RZ, OUT_CH), jnp.float32)

    degp = _sc_degree()(dst, ones16, zeros16)
    d0, d1 = degp[0, :N_NODES], degp[1, :N_NODES]
    h1p = _tc_first(x, W1, d0, d1)
    P = _sc_scatter(HID_CH)(h1p, src, dst, zeros128)
    h2p = _tc_mid(P[0, :N_NODES], P[1, :N_NODES], h1p, d0, d1, b1, W2)
    Q = _sc_scatter(OUT_CH)(h2p, src, dst, zeros64)
    return _tc_final(Q[0, :N_NODES], Q[1, :N_NODES], h2p, d0, d1, b2)

# --- scband reference (transcript-rebuilt; emitter-appended) ---
"""Pipeline reference for scband-gae-encoder-30700426232142 (READ-ONLY COPY).

The authoritative reference and input builder live on the scoring server;
editing this copy changes nothing except your own understanding.
"""

import jax, jax.numpy as jnp
import numpy as np

N_NODES = 10000
IN_CH = 128
HID_CH = 128  # 2 * out_channels
OUT_CH = 64
N_EDGES = 320000


def _gcn_norm(edge_index, n):
    # GCNConv default: add self-loops, symmetric normalization D^-1/2 (A+I) D^-1/2
    src = edge_index[0]
    dst = edge_index[1]
    loop = jnp.arange(n, dtype=edge_index.dtype)
    src = jnp.concatenate([src, loop])
    dst = jnp.concatenate([dst, loop])
    deg = jnp.zeros((n,), dtype=jnp.float32).at[dst].add(1.0)
    deg_inv_sqrt = jnp.where(deg > 0, 1.0 / jnp.sqrt(deg), 0.0)
    norm = deg_inv_sqrt[src] * deg_inv_sqrt[dst]
    return src, dst, norm


def _gcn_conv(x, W, b, src, dst, norm, n):
    h = x @ W                              # dense transform first (PyG order)
    msgs = h[src] * norm[:, None]          # gather + per-edge scale
    out = jnp.zeros((n, h.shape[1]), dtype=h.dtype).at[dst].add(msgs)  # scatter-add
    return out + b


def setup_inputs(seed: int = 0) -> dict:
    key = jax.random.key(seed)
    k1, k2, k3, k4, k5, k6 = jax.random.split(key, 6)
    x = jax.random.normal(k1, (N_NODES, IN_CH), dtype=jnp.float32)
    edge_index = jax.random.randint(k2, (2, N_EDGES), 0, N_NODES, dtype=jnp.int64)
    # glorot-style init for GCN weights
    W1 = jax.random.normal(k3, (IN_CH, HID_CH), dtype=jnp.float32) * (1.0 / np.sqrt(IN_CH))
    b1 = jnp.zeros((HID_CH,), dtype=jnp.float32)
    W2 = jax.random.normal(k4, (HID_CH, OUT_CH), dtype=jnp.float32) * (1.0 / np.sqrt(HID_CH))
    b2 = jnp.zeros((OUT_CH,), dtype=jnp.float32)
    return {"x": x, "edge_index": edge_index, "W1": W1, "b1": b1, "W2": W2, "b2": b2}


def reference(x, edge_index, W1, b1, W2, b2):
    n = x.shape[0]
    src, dst, norm = _gcn_norm(edge_index, n)  # cached=True: same norm for both layers
    h = _gcn_conv(x, W1, b1, src, dst, norm, n)
    h = jax.nn.relu(h)
    out = _gcn_conv(h, W2, b2, src, dst, norm, n)
    return out

if __name__ == "__main__":
    import jax
    _d = setup_inputs()
    print(jax.jit(kernel)(*tuple(_d.values())))

</pallas_src>

<mosaic_0001>
#map = affine_map<(d0, d1) -> (0)>
#map1 = affine_map<(d0, d1) -> (0, 0)>
#map2 = affine_map<(d0, d1) -> (0, 0, 0)>
module attributes {stable_mosaic.version = 14 : i64} {
  func.func @degree(%arg0: i32, %arg1: i32, %arg2: memref<320000xi32, #tpu.memory_space<hbm>>, %arg3: memref<128x16xf32, #tpu.memory_space<hbm>>, %arg4: memref<640x16xf32, #tpu.memory_space<hbm>>, %arg5: memref<2x10240x16xf32, #tpu.memory_space<hbm>>, %arg6: memref<128xi32, #tpu.memory_space<vmem>>, %arg7: memref<128x16xf32, #tpu.memory_space<vmem>>, %arg8: memref<640x16xf32, #tpu.memory_space<vmem>>, %arg9: memref<10240x16xf32, #tpu.memory_space<vmem_shared>>) attributes {dimension_semantics = [#tpu.dimension_semantics<core_parallel>, #tpu.dimension_semantics<subcore_parallel>], iteration_bounds = array<i64: 2, 16>, scalar_prefetch = 0 : i64, scratch_operands = 4 : i64, tpu.core_type = #tpu.core_type<sc_vector_subcore>, window_params = [{transform_indices = #map}, {transform_indices = #map1}, {transform_indices = #map1}, {transform_indices = #map2}]} {
    %mul3A = arith.constant 2 : i32
    %mul3A_0 = arith.muli %arg1, %mul3A : i32
    %add3A = arith.addi %mul3A_0, %arg0 : i32
    %mul3A_1 = arith.constant 640 : i32
    %mul3A_2 = arith.muli %arg1, %mul3A_1 : i32
    "tpu.region"() ({
      %run_scoped3A = tpu.sem_alloc : memref<!tpu.dma_semaphore, #tpu.memory_space<semaphore_mem>>
      tpu.enqueue_dma source(%arg3 : memref<128x16xf32, #tpu.memory_space<hbm>>) target(%arg7 : memref<128x16xf32, #tpu.memory_space<vmem>>) target_semaphore(%run_scoped3A : memref<!tpu.dma_semaphore, #tpu.memory_space<semaphore_mem>>)
      tpu.wait_dma2 semaphore(%run_scoped3A : memref<!tpu.dma_semaphore, #tpu.memory_space<semaphore_mem>>) src(%arg3 : memref<128x16xf32, #tpu.memory_space<hbm>>) dst(%arg7 : memref<128x16xf32, #tpu.memory_space<vmem>>)
      tpu.yield
    }) : () -> ()
    "tpu.region"() ({
      %run_scoped3A = tpu.sem_alloc : memref<!tpu.dma_semaphore, #tpu.memory_space<semaphore_mem>>
      tpu.enqueue_dma source(%arg4 : memref<640x16xf32, #tpu.memory_space<hbm>>) target(%arg8 : memref<640x16xf32, #tpu.memory_space<vmem>>) target_semaphore(%run_scoped3A : memref<!tpu.dma_semaphore, #tpu.memory_space<semaphore_mem>>)
      tpu.wait_dma2 semaphore(%run_scoped3A : memref<!tpu.dma_semaphore, #tpu.memory_space<semaphore_mem>>) src(%arg4 : memref<640x16xf32, #tpu.memory_space<hbm>>) dst(%arg8 : memref<640x16xf32, #tpu.memory_space<vmem>>)
      tpu.yield
    }) : () -> ()
    "tpu.region"() ({
      %run_scoped3A = tpu.sem_alloc : memref<!tpu.dma_semaphore, #tpu.memory_space<semaphore_mem>>
      %dma_start3A = arith.constant 0 : i32
      %dma_start3A_35 = tpu.memref_slice %arg9[%mul3A_2, %dma_start3A] : memref<10240x16xf32, #tpu.memory_space<vmem_shared>> -> memref<640x16xf32, #tpu.memory_space<vmem_shared>>
      %dma_start3A_36 = arith.constant 0 : i32
      %dma_start3A_37 = tpu.memref_slice %arg9[%mul3A_2, %dma_start3A_36] : memref<10240x16xf32, #tpu.memory_space<vmem_shared>> -> memref<640x16xf32, #tpu.memory_space<vmem_shared>>
      tpu.enqueue_dma source(%arg8 : memref<640x16xf32, #tpu.memory_space<vmem>>) target(%dma_start3A_37 : memref<640x16xf32, #tpu.memory_space<vmem_shared>>) target_semaphore(%run_scoped3A : memref<!tpu.dma_semaphore, #tpu.memory_space<semaphore_mem>>)
      %dma_wait3A = arith.constant 0 : i32
      %dma_wait3A_38 = tpu.memref_slice %arg9[%mul3A_2, %dma_wait3A] : memref<10240x16xf32, #tpu.memory_space<vmem_shared>> -> memref<640x16xf32, #tpu.memory_space<vmem_shared>>
      %dma_wait3A_39 = arith.constant 0 : i32
      %dma_wait3A_40 = tpu.memref_slice %arg9[%mul3A_2, %dma_wait3A_39] : memref<10240x16xf32, #tpu.memory_space<vmem_shared>> -> memref<640x16xf32, #tpu.memory_space<vmem_shared>>
      tpu.wait_dma2 semaphore(%run_scoped3A : memref<!tpu.dma_semaphore, #tpu.memory_space<semaphore_mem>>) src(%arg8 : memref<640x16xf32, #tpu.memory_space<vmem>>) dst(%dma_wait3A_40 : memref<640x16xf32, #tpu.memory_space<vmem_shared>>)
      tpu.yield
    }) : () -> ()
    %barrier3A = arith.constant 0 : index
    tpu.barrier barrier_id(%barrier3A)
    %sub3A = arith.constant 2500 : i32
    %sub3A_3 = arith.subi %sub3A, %add3A : i32
    %add3A_4 = arith.constant 32 : i32
    %add3A_5 = arith.addi %sub3A_3, %add3A_4 : i32
    %sub3A_6 = arith.constant 1 : i32
    %sub3A_7 = arith.subi %add3A_5, %sub3A_6 : i32
    %jit3A = arith.constant 32 : i32
    %div3A = arith.divsi %sub3A_7, %jit3A : i32
    %sign3A = arith.constant 0 : i32
    %sign3A_8 = arith.cmpi sgt, %sub3A_7, %sign3A : i32
    %sign3A_9 = arith.extui %sign3A_8 : i1 to i32
    %sign3A_10 = arith.constant 0 : i32
    %sign3A_11 = arith.cmpi slt, %sub3A_7, %sign3A_10 : i32
    %sign3A_12 = arith.extui %sign3A_11 : i1 to i32
    %sign3A_13 = arith.subi %sign3A_9, %sign3A_12 : i32
    %sign3A_14 = arith.constant 0 : i32
    %sign3A_15 = arith.cmpi sgt, %jit3A, %sign3A_14 : i32
    %sign3A_16 = arith.extui %sign3A_15 : i1 to i32
    %sign3A_17 = arith.constant 0 : i32
    %sign3A_18 = arith.cmpi slt, %jit3A, %sign3A_17 : i32
    %sign3A_19 = arith.extui %sign3A_18 : i1 to i32
    %sign3A_20 = arith.subi %sign3A_16, %sign3A_19 : i32
    %ne3A = arith.cmpi ne, %sign3A_13, %sign3A_20 : i32
    %rem3A = arith.remsi %sub3A_7, %jit3A : i32
    %ne3A_21 = arith.constant 0 : i32
    %ne3A_22 = arith.cmpi ne, %rem3A, %ne3A_21 : i32
    %and3A = arith.andi %ne3A, %ne3A_22 : i1
    %sub3A_23 = arith.constant 1 : i32
    %sub3A_24 = arith.subi %div3A, %sub3A_23 : i32
    %select_n3A = arith.select %and3A, %sub3A_24, %div3A : i32
    %while3A = arith.constant 0 : i32
    %while3A_25 = arith.constant 0 : i32
    %while3A_26 = arith.subi %select_n3A, %while3A_25 : i32
    %while3A_27 = arith.addi %while3A_25, %while3A_26 : i32
    %while3A_28 = arith.constant 1 : i32
    %while3A_29 = arith.divsi %while3A_26, %while3A_28 : i32
    %while3A_30 = arith.muli %while3A_29, %while3A_28 : i32
    %while3A_31 = arith.addi %while3A_25, %while3A_30 : i32
    %while3A_32 = arith.constant 1 : i32
    scf.for %while3A_35 = %while3A_25 to %while3A_31 step %while3A_32  : i32 {
      %mul3A_36 = arith.constant 32 : i32
      %mul3A_37 = arith.muli %while3A_35, %mul3A_36 : i32
      %add3A_38 = arith.addi %add3A, %mul3A_37 : i32
      %mul3A_39 = arith.constant 128 : i32
      %mul3A_40 = arith.muli %add3A_38, %mul3A_39 : i32
      "tpu.region"() ({
        %run_scoped3A = tpu.sem_alloc : memref<!tpu.dma_semaphore, #tpu.memory_space<semaphore_mem>>
        %dma_start3A = tpu.memref_slice %arg2[%mul3A_40] : memref<320000xi32, #tpu.memory_space<hbm>> -> memref<128xi32, #tpu.memory_space<hbm>>
        %dma_start3A_41 = tpu.memref_slice %arg2[%mul3A_40] : memref<320000xi32, #tpu.memory_space<hbm>> -> memref<128xi32, #tpu.memory_space<hbm>>
        tpu.enqueue_dma source(%dma_start3A_41 : memref<128xi32, #tpu.memory_space<hbm>>) target(%arg6 : memref<128xi32, #tpu.memory_space<vmem>>) target_semaphore(%run_scoped3A : memref<!tpu.dma_semaphore, #tpu.memory_space<semaphore_mem>>)
        %dma_wait3A = tpu.memref_slice %arg2[%mul3A_40] : memref<320000xi32, #tpu.memory_space<hbm>> -> memref<128xi32, #tpu.memory_space<hbm>>
        %dma_wait3A_42 = tpu.memref_slice %arg2[%mul3A_40] : memref<320000xi32, #tpu.memory_space<hbm>> -> memref<128xi32, #tpu.memory_space<hbm>>
        tpu.wait_dma2 semaphore(%run_scoped3A : memref<!tpu.dma_semaphore, #tpu.memory_space<semaphore_mem>>) src(%dma_wait3A_42 : memref<128xi32, #tpu.memory_space<hbm>>) dst(%arg6 : memref<128xi32, #tpu.memory_space<vmem>>)
        tpu.yield
      }) : () -> ()
      "tpu.region"() ({
        %run_scoped3A = tpu.sem_alloc : memref<!tpu.dma_semaphore, #tpu.memory_space<semaphore_mem>>
        %dma_start3A = arith.constant 0 : i32
        %dma_start3A_41 = arith.constant 0 : i32
        %dma_start3A_42 = tpu.memref_slice %arg9[%dma_start3A, %dma_start3A_41] : memref<10240x16xf32, #tpu.memory_space<vmem_shared>> -> memref<10240x16xf32, #tpu.memory_space<vmem_shared>>
        tpu.enqueue_indirect_dma source(%arg7 : memref<128x16xf32, #tpu.memory_space<vmem>>) target(%dma_start3A_42 : memref<10240x16xf32, #tpu.memory_space<vmem_shared>>) offsets(%arg6 : memref<128xi32, #tpu.memory_space<vmem>>) semaphore(%run_scoped3A : memref<!tpu.dma_semaphore, #tpu.memory_space<semaphore_mem>>) {add = true}
        %dma_wait3A = arith.constant 0 : i32
        %dma_wait3A_43 = arith.constant 0 : i32
        %dma_wait3A_44 = tpu.memref_slice %arg9[%dma_wait3A, %dma_wait3A_43] : memref<10240x16xf32, #tpu.memory_space<vmem_shared>> -> memref<10240x16xf32, #tpu.memory_space<vmem_shared>>
        tpu.wait_indirect_dma semaphore(%run_scoped3A : memref<!tpu.dma_semaphore, #tpu.memory_space<semaphore_mem>>) src(%arg7 : memref<128x16xf32, #tpu.memory_space<vmem>>) dst(%dma_wait3A_44 : memref<10240x16xf32, #tpu.memory_space<vmem_shared>>)
        tpu.yield
      }) : () -> ()
    }
    %while3A_33 = arith.constant 1 : i32
    scf.for %while3A_35 = %while3A_31 to %while3A_27 step %while3A_33  : i32 {
      %mul3A_36 = arith.constant 32 : i32
      %mul3A_37 = arith.muli %while3A_35, %mul3A_36 : i32
      %add3A_38 = arith.addi %add3A, %mul3A_37 : i32
      %mul3A_39 = arith.constant 128 : i32
      %mul3A_40 = arith.muli %add3A_38, %mul3A_39 : i32
      "tpu.region"() ({
        %run_scoped3A = tpu.sem_alloc : memref<!tpu.dma_semaphore, #tpu.memory_space<semaphore_mem>>
        %dma_start3A = tpu.memref_slice %arg2[%mul3A_40] : memref<320000xi32, #tpu.memory_space<hbm>> -> memref<128xi32, #tpu.memory_space<hbm>>
        %dma_start3A_41 = tpu.memref_slice %arg2[%mul3A_40] : memref<320000xi32, #tpu.memory_space<hbm>> -> memref<128xi32, #tpu.memory_space<hbm>>
        tpu.enqueue_dma source(%dma_start3A_41 : memref<128xi32, #tpu.memory_space<hbm>>) target(%arg6 : memref<128xi32, #tpu.memory_space<vmem>>) target_semaphore(%run_scoped3A : memref<!tpu.dma_semaphore, #tpu.memory_space<semaphore_mem>>)
        %dma_wait3A = tpu.memref_slice %arg2[%mul3A_40] : memref<320000xi32, #tpu.memory_space<hbm>> -> memref<128xi32, #tpu.memory_space<hbm>>
        %dma_wait3A_42 = tpu.memref_slice %arg2[%mul3A_40] : memref<320000xi32, #tpu.memory_space<hbm>> -> memref<128xi32, #tpu.memory_space<hbm>>
        tpu.wait_dma2 semaphore(%run_scoped3A : memref<!tpu.dma_semaphore, #tpu.memory_space<semaphore_mem>>) src(%dma_wait3A_42 : memref<128xi32, #tpu.memory_space<hbm>>) dst(%arg6 : memref<128xi32, #tpu.memory_space<vmem>>)
        tpu.yield
      }) : () -> ()
      "tpu.region"() ({
        %run_scoped3A = tpu.sem_alloc : memref<!tpu.dma_semaphore, #tpu.memory_space<semaphore_mem>>
        %dma_start3A = arith.constant 0 : i32
        %dma_start3A_41 = arith.constant 0 : i32
        %dma_start3A_42 = tpu.memref_slice %arg9[%dma_start3A, %dma_start3A_41] : memref<10240x16xf32, #tpu.memory_space<vmem_shared>> -> memref<10240x16xf32, #tpu.memory_space<vmem_shared>>
        tpu.enqueue_indirect_dma source(%arg7 : memref<128x16xf32, #tpu.memory_space<vmem>>) target(%dma_start3A_42 : memref<10240x16xf32, #tpu.memory_space<vmem_shared>>) offsets(%arg6 : memref<128xi32, #tpu.memory_space<vmem>>) semaphore(%run_scoped3A : memref<!tpu.dma_semaphore, #tpu.memory_space<semaphore_mem>>) {add = true}
        %dma_wait3A = arith.constant 0 : i32
        %dma_wait3A_43 = arith.constant 0 : i32
        %dma_wait3A_44 = tpu.memref_slice %arg9[%dma_wait3A, %dma_wait3A_43] : memref<10240x16xf32, #tpu.memory_space<vmem_shared>> -> memref<10240x16xf32, #tpu.memory_space<vmem_shared>>
        tpu.wait_indirect_dma semaphore(%run_scoped3A : memref<!tpu.dma_semaphore, #tpu.memory_space<semaphore_mem>>) src(%arg7 : memref<128x16xf32, #tpu.memory_space<vmem>>) dst(%dma_wait3A_44 : memref<10240x16xf32, #tpu.memory_space<vmem_shared>>)
        tpu.yield
      }) : () -> ()
    }
    %barrier3A_34 = arith.constant 0 : index
    tpu.barrier barrier_id(%barrier3A_34)
    "tpu.region"() ({
      %run_scoped3A = tpu.sem_alloc : memref<!tpu.dma_semaphore, #tpu.memory_space<semaphore_mem>>
      %dma_start3A = arith.constant 0 : i32
      %dma_start3A_35 = tpu.memref_slice %arg9[%mul3A_2, %dma_start3A] : memref<10240x16xf32, #tpu.memory_space<vmem_shared>> -> memref<640x16xf32, #tpu.memory_space<vmem_shared>>
      %dma_start3A_36 = arith.constant 0 : i32
      %dma_start3A_37 = tpu.memref_slice %arg9[%mul3A_2, %dma_start3A_36] : memref<10240x16xf32, #tpu.memory_space<vmem_shared>> -> memref<640x16xf32, #tpu.memory_space<vmem_shared>>
      tpu.enqueue_dma source(%dma_start3A_37 : memref<640x16xf32, #tpu.memory_space<vmem_shared>>) target(%arg8 : memref<640x16xf32, #tpu.memory_space<vmem>>) target_semaphore(%run_scoped3A : memref<!tpu.dma_semaphore, #tpu.memory_space<semaphore_mem>>)
      %dma_wait3A = arith.constant 0 : i32
      %dma_wait3A_38 = tpu.memref_slice %arg9[%mul3A_2, %dma_wait3A] : memref<10240x16xf32, #tpu.memory_space<vmem_shared>> -> memref<640x16xf32, #tpu.memory_space<vmem_shared>>
      %dma_wait3A_39 = arith.constant 0 : i32
      %dma_wait3A_40 = tpu.memref_slice %arg9[%mul3A_2, %dma_wait3A_39] : memref<10240x16xf32, #tpu.memory_space<vmem_shared>> -> memref<640x16xf32, #tpu.memory_space<vmem_shared>>
      tpu.wait_dma2 semaphore(%run_scoped3A : memref<!tpu.dma_semaphore, #tpu.memory_space<semaphore_mem>>) src(%dma_wait3A_40 : memref<640x16xf32, #tpu.memory_space<vmem_shared>>) dst(%arg8 : memref<640x16xf32, #tpu.memory_space<vmem>>)
      tpu.yield
    }) : () -> ()
    "tpu.region"() ({
      %run_scoped3A = tpu.sem_alloc : memref<!tpu.dma_semaphore, #tpu.memory_space<semaphore_mem>>
      %dma_start3A = arith.constant 0 : i32
      %dma_start3A_35 = tpu.memref_slice %arg5[%arg0, %mul3A_2, %dma_start3A] : memref<2x10240x16xf32, #tpu.memory_space<hbm>> -> memref<1x640x16xf32, #tpu.memory_space<hbm>>
      %dma_start3A_36 = tpu.memref_squeeze %dma_start3A_35 : memref<1x640x16xf32, #tpu.memory_space<hbm>> -> memref<640x16xf32, #tpu.memory_space<hbm>>
      %dma_start3A_37 = arith.constant 0 : i32
      %dma_start3A_38 = tpu.memref_slice %arg5[%arg0, %mul3A_2, %dma_start3A_37] : memref<2x10240x16xf32, #tpu.memory_space<hbm>> -> memref<1x640x16xf32, #tpu.memory_space<hbm>>
      %dma_start3A_39 = tpu.memref_squeeze %dma_start3A_38 : memref<1x640x16xf32, #tpu.memory_space<hbm>> -> memref<640x16xf32, #tpu.memory_space<hbm>>
      tpu.enqueue_dma source(%arg8 : memref<640x16xf32, #tpu.memory_space<vmem>>) target(%dma_start3A_39 : memref<640x16xf32, #tpu.memory_space<hbm>>) target_semaphore(%run_scoped3A : memref<!tpu.dma_semaphore, #tpu.memory_space<semaphore_mem>>)
      %dma_wait3A = arith.constant 0 : i32
      %dma_wait3A_40 = tpu.memref_slice %arg5[%arg0, %mul3A_2, %dma_wait3A] : memref<2x10240x16xf32, #tpu.memory_space<hbm>> -> memref<1x640x16xf32, #tpu.memory_space<hbm>>
      %dma_wait3A_41 = tpu.memref_squeeze %dma_wait3A_40 : memref<1x640x16xf32, #tpu.memory_space<hbm>> -> memref<640x16xf32, #tpu.memory_space<hbm>>
      %dma_wait3A_42 = arith.constant 0 : i32
      %dma_wait3A_43 = tpu.memref_slice %arg5[%arg0, %mul3A_2, %dma_wait3A_42] : memref<2x10240x16xf32, #tpu.memory_space<hbm>> -> memref<1x640x16xf32, #tpu.memory_space<hbm>>
      %dma_wait3A_44 = tpu.memref_squeeze %dma_wait3A_43 : memref<1x640x16xf32, #tpu.memory_space<hbm>> -> memref<640x16xf32, #tpu.memory_space<hbm>>
      tpu.wait_dma2 semaphore(%run_scoped3A : memref<!tpu.dma_semaphore, #tpu.memory_space<semaphore_mem>>) src(%arg8 : memref<640x16xf32, #tpu.memory_space<vmem>>) dst(%dma_wait3A_44 : memref<640x16xf32, #tpu.memory_space<hbm>>)
      tpu.yield
    }) : () -> ()
    return
  }
}

#map = affine_map<(d0, d1) -> (0, 0)>
#map1 = affine_map<(d0, d1) -> (0)>
#map2 = affine_map<(d0, d1) -> (0, 0, 0)>
module attributes {stable_mosaic.version = 14 : i64} {
  func.func @scatter(%arg0: i32, %arg1: i32, %arg2: memref<10000x64xf32, #tpu.memory_space<hbm>>, %arg3: memref<320000xi32, #tpu.memory_space<hbm>>, %arg4: memref<320000xi32, #tpu.memory_space<hbm>>, %arg5: memref<128x64xf32, #tpu.memory_space<hbm>>, %arg6: memref<2x10240x64xf32, #tpu.memory_space<hbm>>, %arg7: memref<128xi32, #tpu.memory_space<vmem>>, %arg8: memref<128xi32, #tpu.memory_space<vmem>>, %arg9: memref<128x64xf32, #tpu.memory_space<vmem>>, %arg10: memref<128x64xf32, #tpu.memory_space<vmem>>, %arg11: memref<10240x64xf32, #tpu.memory_space<vmem_shared>>, %arg12: memref<!tpu.dma_semaphore, #tpu.memory_space<semaphore_mem>>) attributes {dimension_semantics = [#tpu.dimension_semantics<core_parallel>, #tpu.dimension_semantics<subcore_parallel>], iteration_bounds = array<i64: 2, 16>, scalar_prefetch = 0 : i64, scratch_operands = 6 : i64, tpu.core_type = #tpu.core_type<sc_vector_subcore>, window_params = [{transform_indices = #map}, {transform_indices = #map1}, {transform_indices = #map1}, {transform_indices = #map}, {transform_indices = #map2}]} {
    %mul3A = arith.constant 2 : i32
    %mul3A_0 = arith.muli %arg1, %mul3A : i32
    %add3A = arith.addi %mul3A_0, %arg0 : i32
    %mul3A_1 = arith.constant 640 : i32
    %mul3A_2 = arith.muli %arg1, %mul3A_1 : i32
    "tpu.region"() ({
      %run_scoped3A = tpu.sem_alloc : memref<!tpu.dma_semaphore, #tpu.memory_space<semaphore_mem>>
      tpu.enqueue_dma source(%arg5 : memref<128x64xf32, #tpu.memory_space<hbm>>) target(%arg10 : memref<128x64xf32, #tpu.memory_space<vmem>>) target_semaphore(%run_scoped3A : memref<!tpu.dma_semaphore, #tpu.memory_space<semaphore_mem>>)
      tpu.wait_dma2 semaphore(%run_scoped3A : memref<!tpu.dma_semaphore, #tpu.memory_space<semaphore_mem>>) src(%arg5 : memref<128x64xf32, #tpu.memory_space<hbm>>) dst(%arg10 : memref<128x64xf32, #tpu.memory_space<vmem>>)
      tpu.yield
    }) : () -> ()
    %add3A_3 = arith.constant 0 : i32
    %add3A_4 = arith.addi %mul3A_2, %add3A_3 : i32
    "tpu.region"() ({
      %run_scoped3A = tpu.sem_alloc : memref<!tpu.dma_semaphore, #tpu.memory_space<semaphore_mem>>
      %dma_start3A = arith.constant 0 : i32
      %dma_start3A_55 = tpu.memref_slice %arg11[%add3A_4, %dma_start3A] : memref<10240x64xf32, #tpu.memory_space<vmem_shared>> -> memref<128x64xf32, #tpu.memory_space<vmem_shared>>
      %dma_start3A_56 = arith.constant 0 : i32
      %dma_start3A_57 = tpu.memref_slice %arg11[%add3A_4, %dma_start3A_56] : memref<10240x64xf32, #tpu.memory_space<vmem_shared>> -> memref<128x64xf32, #tpu.memory_space<vmem_shared>>
      tpu.enqueue_dma source(%arg10 : memref<128x64xf32, #tpu.memory_space<vmem>>) target(%dma_start3A_57 : memref<128x64xf32, #tpu.memory_space<vmem_shared>>) target_semaphore(%run_scoped3A : memref<!tpu.dma_semaphore, #tpu.memory_space<semaphore_mem>>)
      %dma_wait3A = arith.constant 0 : i32
      %dma_wait3A_58 = tpu.memref_slice %arg11[%add3A_4, %dma_wait3A] : memref<10240x64xf32, #tpu.memory_space<vmem_shared>> -> memref<128x64xf32, #tpu.memory_space<vmem_shared>>
      %dma_wait3A_59 = arith.constant 0 : i32
      %dma_wait3A_60 = tpu.memref_slice %arg11[%add3A_4, %dma_wait3A_59] : memref<10240x64xf32, #tpu.memory_space<vmem_shared>> -> memref<128x64xf32, #tpu.memory_space<vmem_shared>>
      tpu.wait_dma2 semaphore(%run_scoped3A : memref<!tpu.dma_semaphore, #tpu.memory_space<semaphore_mem>>) src(%arg10 : memref<128x64xf32, #tpu.memory_space<vmem>>) dst(%dma_wait3A_60 : memref<128x64xf32, #tpu.memory_space<vmem_shared>>)
      tpu.yield
    }) : () -> ()
    %add3A_5 = arith.constant 128 : i32
    %add3A_6 = arith.addi %mul3A_2, %add3A_5 : i32
    "tpu.region"() ({
      %run_scoped3A = tpu.sem_alloc : memref<!tpu.dma_semaphore, #tpu.memory_space<semaphore_mem>>
      %dma_start3A = arith.constant 0 : i32
      %dma_start3A_55 = tpu.memref_slice %arg11[%add3A_6, %dma_start3A] : memref<10240x64xf32, #tpu.memory_space<vmem_shared>> -> memref<128x64xf32, #tpu.memory_space<vmem_shared>>
      %dma_start3A_56 = arith.constant 0 : i32
      %dma_start3A_57 = tpu.memref_slice %arg11[%add3A_6, %dma_start3A_56] : memref<10240x64xf32, #tpu.memory_space<vmem_shared>> -> memref<128x64xf32, #tpu.memory_space<vmem_shared>>
      tpu.enqueue_dma source(%arg10 : memref<128x64xf32, #tpu.memory_space<vmem>>) target(%dma_start3A_57 : memref<128x64xf32, #tpu.memory_space<vmem_shared>>) target_semaphore(%run_scoped3A : memref<!tpu.dma_semaphore, #tpu.memory_space<semaphore_mem>>)
      %dma_wait3A = arith.constant 0 : i32
      %dma_wait3A_58 = tpu.memref_slice %arg11[%add3A_6, %dma_wait3A] : memref<10240x64xf32, #tpu.memory_space<vmem_shared>> -> memref<128x64xf32, #tpu.memory_space<vmem_shared>>
      %dma_wait3A_59 = arith.constant 0 : i32
      %dma_wait3A_60 = tpu.memref_slice %arg11[%add3A_6, %dma_wait3A_59] : memref<10240x64xf32, #tpu.memory_space<vmem_shared>> -> memref<128x64xf32, #tpu.memory_space<vmem_shared>>
      tpu.wait_dma2 semaphore(%run_scoped3A : memref<!tpu.dma_semaphore, #tpu.memory_space<semaphore_mem>>) src(%arg10 : memref<128x64xf32, #tpu.memory_space<vmem>>) dst(%dma_wait3A_60 : memref<128x64xf32, #tpu.memory_space<vmem_shared>>)
      tpu.yield
    }) : () -> ()
    %add3A_7 = arith.constant 256 : i32
    %add3A_8 = arith.addi %mul3A_2, %add3A_7 : i32
    "tpu.region"() ({
      %run_scoped3A = tpu.sem_alloc : memref<!tpu.dma_semaphore, #tpu.memory_space<semaphore_mem>>
      %dma_start3A = arith.constant 0 : i32
      %dma_start3A_55 = tpu.memref_slice %arg11[%add3A_8, %dma_start3A] : memref<10240x64xf32, #tpu.memory_space<vmem_shared>> -> memref<128x64xf32, #tpu.memory_space<vmem_shared>>
      %dma_start3A_56 = arith.constant 0 : i32
      %dma_start3A_57 = tpu.memref_slice %arg11[%add3A_8, %dma_start3A_56] : memref<10240x64xf32, #tpu.memory_space<vmem_shared>> -> memref<128x64xf32, #tpu.memory_space<vmem_shared>>
      tpu.enqueue_dma source(%arg10 : memref<128x64xf32, #tpu.memory_space<vmem>>) target(%dma_start3A_57 : memref<128x64xf32, #tpu.memory_space<vmem_shared>>) target_semaphore(%run_scoped3A : memref<!tpu.dma_semaphore, #tpu.memory_space<semaphore_mem>>)
      %dma_wait3A = arith.constant 0 : i32
      %dma_wait3A_58 = tpu.memref_slice %arg11[%add3A_8, %dma_wait3A] : memref<10240x64xf32, #tpu.memory_space<vmem_shared>> -> memref<128x64xf32, #tpu.memory_space<vmem_shared>>
      %dma_wait3A_59 = arith.constant 0 : i32
      %dma_wait3A_60 = tpu.memref_slice %arg11[%add3A_8, %dma_wait3A_59] : memref<10240x64xf32, #tpu.memory_space<vmem_shared>> -> memref<128x64xf32, #tpu.memory_space<vmem_shared>>
      tpu.wait_dma2 semaphore(%run_scoped3A : memref<!tpu.dma_semaphore, #tpu.memory_space<semaphore_mem>>) src(%arg10 : memref<128x64xf32, #tpu.memory_space<vmem>>) dst(%dma_wait3A_60 : memref<128x64xf32, #tpu.memory_space<vmem_shared>>)
      tpu.yield
    }) : () -> ()
    %add3A_9 = arith.constant 384 : i32
    %add3A_10 = arith.addi %mul3A_2, %add3A_9 : i32
    "tpu.region"() ({
      %run_scoped3A = tpu.sem_alloc : memref<!tpu.dma_semaphore, #tpu.memory_space<semaphore_mem>>
      %dma_start3A = arith.constant 0 : i32
      %dma_start3A_55 = tpu.memref_slice %arg11[%add3A_10, %dma_start3A] : memref<10240x64xf32, #tpu.memory_space<vmem_shared>> -> memref<128x64xf32, #tpu.memory_space<vmem_shared>>
      %dma_start3A_56 = arith.constant 0 : i32
      %dma_start3A_57 = tpu.memref_slice %arg11[%add3A_10, %dma_start3A_56] : memref<10240x64xf32, #tpu.memory_space<vmem_shared>> -> memref<128x64xf32, #tpu.memory_space<vmem_shared>>
      tpu.enqueue_dma source(%arg10 : memref<128x64xf32, #tpu.memory_space<vmem>>) target(%dma_start3A_57 : memref<128x64xf32, #tpu.memory_space<vmem_shared>>) target_semaphore(%run_scoped3A : memref<!tpu.dma_semaphore, #tpu.memory_space<semaphore_mem>>)
      %dma_wait3A = arith.constant 0 : i32
      %dma_wait3A_58 = tpu.memref_slice %arg11[%add3A_10, %dma_wait3A] : memref<10240x64xf32, #tpu.memory_space<vmem_shared>> -> memref<128x64xf32, #tpu.memory_space<vmem_shared>>
      %dma_wait3A_59 = arith.constant 0 : i32
      %dma_wait3A_60 = tpu.memref_slice %arg11[%add3A_10, %dma_wait3A_59] : memref<10240x64xf32, #tpu.memory_space<vmem_shared>> -> memref<128x64xf32, #tpu.memory_space<vmem_shared>>
      tpu.wait_dma2 semaphore(%run_scoped3A : memref<!tpu.dma_semaphore, #tpu.memory_space<semaphore_mem>>) src(%arg10 : memref<128x64xf32, #tpu.memory_space<vmem>>) dst(%dma_wait3A_60 : memref<128x64xf32, #tpu.memory_space<vmem_shared>>)
      tpu.yield
    }) : () -> ()
    %add3A_11 = arith.constant 512 : i32
    %add3A_12 = arith.addi %mul3A_2, %add3A_11 : i32
    "tpu.region"() ({
      %run_scoped3A = tpu.sem_alloc : memref<!tpu.dma_semaphore, #tpu.memory_space<semaphore_mem>>
      %dma_start3A = arith.constant 0 : i32
      %dma_start3A_55 = tpu.memref_slice %arg11[%add3A_12, %dma_start3A] : memref<10240x64xf32, #tpu.memory_space<vmem_shared>> -> memref<128x64xf32, #tpu.memory_space<vmem_shared>>
      %dma_start3A_56 = arith.constant 0 : i32
      %dma_start3A_57 = tpu.memref_slice %arg11[%add3A_12, %dma_start3A_56] : memref<10240x64xf32, #tpu.memory_space<vmem_shared>> -> memref<128x64xf32, #tpu.memory_space<vmem_shared>>
      tpu.enqueue_dma source(%arg10 : memref<128x64xf32, #tpu.memory_space<vmem>>) target(%dma_start3A_57 : memref<128x64xf32, #tpu.memory_space<vmem_shared>>) target_semaphore(%run_scoped3A : memref<!tpu.dma_semaphore, #tpu.memory_space<semaphore_mem>>)
      %dma_wait3A = arith.constant 0 : i32
      %dma_wait3A_58 = tpu.memref_slice %arg11[%add3A_12, %dma_wait3A] : memref<10240x64xf32, #tpu.memory_space<vmem_shared>> -> memref<128x64xf32, #tpu.memory_space<vmem_shared>>
      %dma_wait3A_59 = arith.constant 0 : i32
      %dma_wait3A_60 = tpu.memref_slice %arg11[%add3A_12, %dma_wait3A_59] : memref<10240x64xf32, #tpu.memory_space<vmem_shared>> -> memref<128x64xf32, #tpu.memory_space<vmem_shared>>
      tpu.wait_dma2 semaphore(%run_scoped3A : memref<!tpu.dma_semaphore, #tpu.memory_space<semaphore_mem>>) src(%arg10 : memref<128x64xf32, #tpu.memory_space<vmem>>) dst(%dma_wait3A_60 : memref<128x64xf32, #tpu.memory_space<vmem_shared>>)
      tpu.yield
    }) : () -> ()
    %barrier3A = arith.constant 0 : index
    tpu.barrier barrier_id(%barrier3A)
    %sub3A = arith.constant 2500 : i32
    %sub3A_13 = arith.subi %sub3A, %add3A : i32
    %add3A_14 = arith.constant 32 : i32
    %add3A_15 = arith.addi %sub3A_13, %add3A_14 : i32
    %sub3A_16 = arith.constant 1 : i32
    %sub3A_17 = arith.subi %add3A_15, %sub3A_16 : i32
    %jit3A = arith.constant 32 : i32
    %div3A = arith.divsi %sub3A_17, %jit3A : i32
    %sign3A = arith.constant 0 : i32
    %sign3A_18 = arith.cmpi sgt, %sub3A_17, %sign3A : i32
    %sign3A_19 = arith.extui %sign3A_18 : i1 to i32
    %sign3A_20 = arith.constant 0 : i32
    %sign3A_21 = arith.cmpi slt, %sub3A_17, %sign3A_20 : i32
    %sign3A_22 = arith.extui %sign3A_21 : i1 to i32
    %sign3A_23 = arith.subi %sign3A_19, %sign3A_22 : i32
    %sign3A_24 = arith.constant 0 : i32
    %sign3A_25 = arith.cmpi sgt, %jit3A, %sign3A_24 : i32
    %sign3A_26 = arith.extui %sign3A_25 : i1 to i32
    %sign3A_27 = arith.constant 0 : i32
    %sign3A_28 = arith.cmpi slt, %jit3A, %sign3A_27 : i32
    %sign3A_29 = arith.extui %sign3A_28 : i1 to i32
    %sign3A_30 = arith.subi %sign3A_26, %sign3A_29 : i32
    %ne3A = arith.cmpi ne, %sign3A_23, %sign3A_30 : i32
    %rem3A = arith.remsi %sub3A_17, %jit3A : i32
    %ne3A_31 = arith.constant 0 : i32
    %ne3A_32 = arith.cmpi ne, %rem3A, %ne3A_31 : i32
    %and3A = arith.andi %ne3A, %ne3A_32 : i1
    %sub3A_33 = arith.constant 1 : i32
    %sub3A_34 = arith.subi %div3A, %sub3A_33 : i32
    %select_n3A = arith.select %and3A, %sub3A_34, %div3A : i32
    %while3A = arith.constant 0 : i32
    %while3A_35 = arith.constant 0 : i32
    %while3A_36 = arith.subi %select_n3A, %while3A_35 : i32
    %while3A_37 = arith.addi %while3A_35, %while3A_36 : i32
    %while3A_38 = arith.constant 1 : i32
    %while3A_39 = arith.divsi %while3A_36, %while3A_38 : i32
    %while3A_40 = arith.muli %while3A_39, %while3A_38 : i32
    %while3A_41 = arith.addi %while3A_35, %while3A_40 : i32
    %while3A_42 = arith.constant 1 : i32
    scf.for %while3A_55 = %while3A_35 to %while3A_41 step %while3A_42  : i32 {
      %mul3A_56 = arith.constant 32 : i32
      %mul3A_57 = arith.muli %while3A_55, %mul3A_56 : i32
      %add3A_58 = arith.addi %add3A, %mul3A_57 : i32
      %mul3A_59 = arith.constant 128 : i32
      %mul3A_60 = arith.muli %add3A_58, %mul3A_59 : i32
      "tpu.region"() ({
        %run_scoped3A = tpu.sem_alloc : memref<!tpu.dma_semaphore, #tpu.memory_space<semaphore_mem>>
        %dma_start3A_65 = tpu.memref_slice %arg3[%mul3A_60] : memref<320000xi32, #tpu.memory_space<hbm>> -> memref<128xi32, #tpu.memory_space<hbm>>
        %dma_start3A_66 = tpu.memref_slice %arg3[%mul3A_60] : memref<320000xi32, #tpu.memory_space<hbm>> -> memref<128xi32, #tpu.memory_space<hbm>>
        tpu.enqueue_dma source(%dma_start3A_66 : memref<128xi32, #tpu.memory_space<hbm>>) target(%arg7 : memref<128xi32, #tpu.memory_space<vmem>>) target_semaphore(%run_scoped3A : memref<!tpu.dma_semaphore, #tpu.memory_space<semaphore_mem>>)
        %dma_wait3A_67 = tpu.memref_slice %arg3[%mul3A_60] : memref<320000xi32, #tpu.memory_space<hbm>> -> memref<128xi32, #tpu.memory_space<hbm>>
        %dma_wait3A_68 = tpu.memref_slice %arg3[%mul3A_60] : memref<320000xi32, #tpu.memory_space<hbm>> -> memref<128xi32, #tpu.memory_space<hbm>>
        tpu.wait_dma2 semaphore(%run_scoped3A : memref<!tpu.dma_semaphore, #tpu.memory_space<semaphore_mem>>) src(%dma_wait3A_68 : memref<128xi32, #tpu.memory_space<hbm>>) dst(%arg7 : memref<128xi32, #tpu.memory_space<vmem>>)
        tpu.yield
      }) : () -> ()
      "tpu.region"() ({
        %run_scoped3A = tpu.sem_alloc : memref<!tpu.dma_semaphore, #tpu.memory_space<semaphore_mem>>
        %dma_start3A_65 = tpu.memref_slice %arg4[%mul3A_60] : memref<320000xi32, #tpu.memory_space<hbm>> -> memref<128xi32, #tpu.memory_space<hbm>>
        %dma_start3A_66 = tpu.memref_slice %arg4[%mul3A_60] : memref<320000xi32, #tpu.memory_space<hbm>> -> memref<128xi32, #tpu.memory_space<hbm>>
        tpu.enqueue_dma source(%dma_start3A_66 : memref<128xi32, #tpu.memory_space<hbm>>) target(%arg8 : memref<128xi32, #tpu.memory_space<vmem>>) target_semaphore(%run_scoped3A : memref<!tpu.dma_semaphore, #tpu.memory_space<semaphore_mem>>)
        %dma_wait3A_67 = tpu.memref_slice %arg4[%mul3A_60] : memref<320000xi32, #tpu.memory_space<hbm>> -> memref<128xi32, #tpu.memory_space<hbm>>
        %dma_wait3A_68 = tpu.memref_slice %arg4[%mul3A_60] : memref<320000xi32, #tpu.memory_space<hbm>> -> memref<128xi32, #tpu.memory_space<hbm>>
        tpu.wait_dma2 semaphore(%run_scoped3A : memref<!tpu.dma_semaphore, #tpu.memory_space<semaphore_mem>>) src(%dma_wait3A_68 : memref<128xi32, #tpu.memory_space<hbm>>) dst(%arg8 : memref<128xi32, #tpu.memory_space<vmem>>)
        tpu.yield
      }) : () -> ()
      %dma_start3A = arith.constant 0 : i32
      %dma_start3A_61 = arith.constant 0 : i32
      %dma_start3A_62 = tpu.memref_slice %arg2[%dma_start3A, %dma_start3A_61] : memref<10000x64xf32, #tpu.memory_space<hbm>> -> memref<10000x64xf32, #tpu.memory_space<hbm>>
      tpu.enqueue_indirect_dma source(%dma_start3A_62 : memref<10000x64xf32, #tpu.memory_space<hbm>>) target(%arg9 : memref<128x64xf32, #tpu.memory_space<vmem>>) offsets(%arg7 : memref<128xi32, #tpu.memory_space<vmem>>) semaphore(%arg12 : memref<!tpu.dma_semaphore, #tpu.memory_space<semaphore_mem>>)
      %dma_wait3A = arith.constant 0 : i32
      %dma_wait3A_63 = arith.constant 0 : i32
      %dma_wait3A_64 = tpu.memref_slice %arg2[%dma_wait3A, %dma_wait3A_63] : memref<10000x64xf32, #tpu.memory_space<hbm>> -> memref<10000x64xf32, #tpu.memory_space<hbm>>
      tpu.wait_indirect_dma semaphore(%arg12 : memref<!tpu.dma_semaphore, #tpu.memory_space<semaphore_mem>>) src(%dma_wait3A_64 : memref<10000x64xf32, #tpu.memory_space<hbm>>) dst(%arg9 : memref<128x64xf32, #tpu.memory_space<vmem>>)
      "tpu.region"() ({
        %run_scoped3A = tpu.sem_alloc : memref<!tpu.dma_semaphore, #tpu.memory_space<semaphore_mem>>
        %dma_start3A_65 = arith.constant 0 : i32
        %dma_start3A_66 = arith.constant 0 : i32
        %dma_start3A_67 = tpu.memref_slice %arg11[%dma_start3A_65, %dma_start3A_66] : memref<10240x64xf32, #tpu.memory_space<vmem_shared>> -> memref<10240x64xf32, #tpu.memory_space<vmem_shared>>
        tpu.enqueue_indirect_dma source(%arg9 : memref<128x64xf32, #tpu.memory_space<vmem>>) target(%dma_start3A_67 : memref<10240x64xf32, #tpu.memory_space<vmem_shared>>) offsets(%arg8 : memref<128xi32, #tpu.memory_space<vmem>>) semaphore(%run_scoped3A : memref<!tpu.dma_semaphore, #tpu.memory_space<semaphore_mem>>) {add = true}
        %dma_wait3A_68 = arith.constant 0 : i32
        %dma_wait3A_69 = arith.constant 0 : i32
        %dma_wait3A_70 = tpu.memref_slice %arg11[%dma_wait3A_68, %dma_wait3A_69] : memref<10240x64xf32, #tpu.memory_space<vmem_shared>> -> memref<10240x64xf32, #tpu.memory_space<vmem_shared>>
        tpu.wait_indirect_dma semaphore(%run_scoped3A : memref<!tpu.dma_semaphore, #tpu.memory_space<semaphore_mem>>) src(%arg9 : memref<128x64xf32, #tpu.memory_space<vmem>>) dst(%dma_wait3A_70 : memref<10240x64xf32, #tpu.memory_space<vmem_shared>>)
        tpu.yield
      }) : () -> ()
    }
    %while3A_43 = arith.constant 1 : i32
    scf.for %while3A_55 = %while3A_41 to %while3A_37 step %while3A_43  : i32 {
      %mul3A_56 = arith.constant 32 : i32
      %mul3A_57 = arith.muli %while3A_55, %mul3A_56 : i32
      %add3A_58 = arith.addi %add3A, %mul3A_57 : i32
      %mul3A_59 = arith.constant 128 : i32
      %mul3A_60 = arith.muli %add3A_58, %mul3A_59 : i32
      "tpu.region"() ({
        %run_scoped3A = tpu.sem_alloc : memref<!tpu.dma_semaphore, #tpu.memory_space<semaphore_mem>>
        %dma_start3A_65 = tpu.memref_slice %arg3[%mul3A_60] : memref<320000xi32, #tpu.memory_space<hbm>> -> memref<128xi32, #tpu.memory_space<hbm>>
        %dma_start3A_66 = tpu.memref_slice %arg3[%mul3A_60] : memref<320000xi32, #tpu.memory_space<hbm>> -> memref<128xi32, #tpu.memory_space<hbm>>
        tpu.enqueue_dma source(%dma_start3A_66 : memref<128xi32, #tpu.memory_space<hbm>>) target(%arg7 : memref<128xi32, #tpu.memory_space<vmem>>) target_semaphore(%run_scoped3A : memref<!tpu.dma_semaphore, #tpu.memory_space<semaphore_mem>>)
        %dma_wait3A_67 = tpu.memref_slice %arg3[%mul3A_60] : memref<320000xi32, #tpu.memory_space<hbm>> -> memref<128xi32, #tpu.memory_space<hbm>>
        %dma_wait3A_68 = tpu.memref_slice %arg3[%mul3A_60] : memref<320000xi32, #tpu.memory_space<hbm>> -> memref<128xi32, #tpu.memory_space<hbm>>
        tpu.wait_dma2 semaphore(%run_scoped3A : memref<!tpu.dma_semaphore, #tpu.memory_space<semaphore_mem>>) src(%dma_wait3A_68 : memref<128xi32, #tpu.memory_space<hbm>>) dst(%arg7 : memref<128xi32, #tpu.memory_space<vmem>>)
        tpu.yield
      }) : () -> ()
      "tpu.region"() ({
        %run_scoped3A = tpu.sem_alloc : memref<!tpu.dma_semaphore, #tpu.memory_space<semaphore_mem>>
        %dma_start3A_65 = tpu.memref_slice %arg4[%mul3A_60] : memref<320000xi32, #tpu.memory_space<hbm>> -> memref<128xi32, #tpu.memory_space<hbm>>
        %dma_start3A_66 = tpu.memref_slice %arg4[%mul3A_60] : memref<320000xi32, #tpu.memory_space<hbm>> -> memref<128xi32, #tpu.memory_space<hbm>>
        tpu.enqueue_dma source(%dma_start3A_66 : memref<128xi32, #tpu.memory_space<hbm>>) target(%arg8 : memref<128xi32, #tpu.memory_space<vmem>>) target_semaphore(%run_scoped3A : memref<!tpu.dma_semaphore, #tpu.memory_space<semaphore_mem>>)
        %dma_wait3A_67 = tpu.memref_slice %arg4[%mul3A_60] : memref<320000xi32, #tpu.memory_space<hbm>> -> memref<128xi32, #tpu.memory_space<hbm>>
        %dma_wait3A_68 = tpu.memref_slice %arg4[%mul3A_60] : memref<320000xi32, #tpu.memory_space<hbm>> -> memref<128xi32, #tpu.memory_space<hbm>>
        tpu.wait_dma2 semaphore(%run_scoped3A : memref<!tpu.dma_semaphore, #tpu.memory_space<semaphore_mem>>) src(%dma_wait3A_68 : memref<128xi32, #tpu.memory_space<hbm>>) dst(%arg8 : memref<128xi32, #tpu.memory_space<vmem>>)
        tpu.yield
      }) : () -> ()
      %dma_start3A = arith.constant 0 : i32
      %dma_start3A_61 = arith.constant 0 : i32
      %dma_start3A_62 = tpu.memref_slice %arg2[%dma_start3A, %dma_start3A_61] : memref<10000x64xf32, #tpu.memory_space<hbm>> -> memref<10000x64xf32, #tpu.memory_space<hbm>>
      tpu.enqueue_indirect_dma source(%dma_start3A_62 : memref<10000x64xf32, #tpu.memory_space<hbm>>) target(%arg9 : memref<128x64xf32, #tpu.memory_space<vmem>>) offsets(%arg7 : memref<128xi32, #tpu.memory_space<vmem>>) semaphore(%arg12 : memref<!tpu.dma_semaphore, #tpu.memory_space<semaphore_mem>>)
      %dma_wait3A = arith.constant 0 : i32
      %dma_wait3A_63 = arith.constant 0 : i32
      %dma_wait3A_64 = tpu.memref_slice %arg2[%dma_wait3A, %dma_wait3A_63] : memref<10000x64xf32, #tpu.memory_space<hbm>> -> memref<10000x64xf32, #tpu.memory_space<hbm>>
      tpu.wait_indirect_dma semaphore(%arg12 : memref<!tpu.dma_semaphore, #tpu.memory_space<semaphore_mem>>) src(%dma_wait3A_64 : memref<10000x64xf32, #tpu.memory_space<hbm>>) dst(%arg9 : memref<128x64xf32, #tpu.memory_space<vmem>>)
      "tpu.region"() ({
        %run_scoped3A = tpu.sem_alloc : memref<!tpu.dma_semaphore, #tpu.memory_space<semaphore_mem>>
        %dma_start3A_65 = arith.constant 0 : i32
        %dma_start3A_66 = arith.constant 0 : i32
        %dma_start3A_67 = tpu.memref_slice %arg11[%dma_start3A_65, %dma_start3A_66] : memref<10240x64xf32, #tpu.memory_space<vmem_shared>> -> memref<10240x64xf32, #tpu.memory_space<vmem_shared>>
        tpu.enqueue_indirect_dma source(%arg9 : memref<128x64xf32, #tpu.memory_space<vmem>>) target(%dma_start3A_67 : memref<10240x64xf32, #tpu.memory_space<vmem_shared>>) offsets(%arg8 : memref<128xi32, #tpu.memory_space<vmem>>) semaphore(%run_scoped3A : memref<!tpu.dma_semaphore, #tpu.memory_space<semaphore_mem>>) {add = true}
        %dma_wait3A_68 = arith.constant 0 : i32
        %dma_wait3A_69 = arith.constant 0 : i32
        %dma_wait3A_70 = tpu.memref_slice %arg11[%dma_wait3A_68, %dma_wait3A_69] : memref<10240x64xf32, #tpu.memory_space<vmem_shared>> -> memref<10240x64xf32, #tpu.memory_space<vmem_shared>>
        tpu.wait_indirect_dma semaphore(%run_scoped3A : memref<!tpu.dma_semaphore, #tpu.memory_space<semaphore_mem>>) src(%arg9 : memref<128x64xf32, #tpu.memory_space<vmem>>) dst(%dma_wait3A_70 : memref<10240x64xf32, #tpu.memory_space<vmem_shared>>)
        tpu.yield
      }) : () -> ()
    }
    %barrier3A_44 = arith.constant 0 : index
    tpu.barrier barrier_id(%barrier3A_44)
    %add3A_45 = arith.constant 0 : i32
    %add3A_46 = arith.addi %mul3A_2, %add3A_45 : i32
    "tpu.region"() ({
      %run_scoped3A = tpu.sem_alloc : memref<!tpu.dma_semaphore, #tpu.memory_space<semaphore_mem>>
      %dma_start3A = arith.constant 0 : i32
      %dma_start3A_55 = tpu.memref_slice %arg11[%add3A_46, %dma_start3A] : memref<10240x64xf32, #tpu.memory_space<vmem_shared>> -> memref<128x64xf32, #tpu.memory_space<vmem_shared>>
      %dma_start3A_56 = arith.constant 0 : i32
      %dma_start3A_57 = tpu.memref_slice %arg11[%add3A_46, %dma_start3A_56] : memref<10240x64xf32, #tpu.memory_space<vmem_shared>> -> memref<128x64xf32, #tpu.memory_space<vmem_shared>>
      tpu.enqueue_dma source(%dma_start3A_57 : memref<128x64xf32, #tpu.memory_space<vmem_shared>>) target(%arg10 : memref<128x64xf32, #tpu.memory_space<vmem>>) target_semaphore(%run_scoped3A : memref<!tpu.dma_semaphore, #tpu.memory_space<semaphore_mem>>)
      %dma_wait3A = arith.constant 0 : i32
      %dma_wait3A_58 = tpu.memref_slice %arg11[%add3A_46, %dma_wait3A] : memref<10240x64xf32, #tpu.memory_space<vmem_shared>> -> memref<128x64xf32, #tpu.memory_space<vmem_shared>>
      %dma_wait3A_59 = arith.constant 0 : i32
      %dma_wait3A_60 = tpu.memref_slice %arg11[%add3A_46, %dma_wait3A_59] : memref<10240x64xf32, #tpu.memory_space<vmem_shared>> -> memref<128x64xf32, #tpu.memory_space<vmem_shared>>
      tpu.wait_dma2 semaphore(%run_scoped3A : memref<!tpu.dma_semaphore, #tpu.memory_space<semaphore_mem>>) src(%dma_wait3A_60 : memref<128x64xf32, #tpu.memory_space<vmem_shared>>) dst(%arg10 : memref<128x64xf32, #tpu.memory_space<vmem>>)
      tpu.yield
    }) : () -> ()
    "tpu.region"() ({
      %run_scoped3A = tpu.sem_alloc : memref<!tpu.dma_semaphore, #tpu.memory_space<semaphore_mem>>
      %dma_start3A = arith.constant 0 : i32
      %dma_start3A_55 = tpu.memref_slice %arg6[%arg0, %add3A_46, %dma_start3A] : memref<2x10240x64xf32, #tpu.memory_space<hbm>> -> memref<1x128x64xf32, #tpu.memory_space<hbm>>
      %dma_start3A_56 = tpu.memref_squeeze %dma_start3A_55 : memref<1x128x64xf32, #tpu.memory_space<hbm>> -> memref<128x64xf32, #tpu.memory_space<hbm>>
      %dma_start3A_57 = arith.constant 0 : i32
      %dma_start3A_58 = tpu.memref_slice %arg6[%arg0, %add3A_46, %dma_start3A_57] : memref<2x10240x64xf32, #tpu.memory_space<hbm>> -> memref<1x128x64xf32, #tpu.memory_space<hbm>>
      %dma_start3A_59 = tpu.memref_squeeze %dma_start3A_58 : memref<1x128x64xf32, #tpu.memory_space<hbm>> -> memref<128x64xf32, #tpu.memory_space<hbm>>
      tpu.enqueue_dma source(%arg10 : memref<128x64xf32, #tpu.memory_space<vmem>>) target(%dma_start3A_59 : memref<128x64xf32, #tpu.memory_space<hbm>>) target_semaphore(%run_scoped3A : memref<!tpu.dma_semaphore, #tpu.memory_space<semaphore_mem>>)
      %dma_wait3A = arith.constant 0 : i32
      %dma_wait3A_60 = tpu.memref_slice %arg6[%arg0, %add3A_46, %dma_wait3A] : memref<2x10240x64xf32, #tpu.memory_space<hbm>> -> memref<1x128x64xf32, #tpu.memory_space<hbm>>
      %dma_wait3A_61 = tpu.memref_squeeze %dma_wait3A_60 : memref<1x128x64xf32, #tpu.memory_space<hbm>> -> memref<128x64xf32, #tpu.memory_space<hbm>>
      %dma_wait3A_62 = arith.constant 0 : i32
      %dma_wait3A_63 = tpu.memref_slice %arg6[%arg0, %add3A_46, %dma_wait3A_62] : memref<2x10240x64xf32, #tpu.memory_space<hbm>> -> memref<1x128x64xf32, #tpu.memory_space<hbm>>
      %dma_wait3A_64 = tpu.memref_squeeze %dma_wait3A_63 : memref<1x128x64xf32, #tpu.memory_space<hbm>> -> memref<128x64xf32, #tpu.memory_space<hbm>>
      tpu.wait_dma2 semaphore(%run_scoped3A : memref<!tpu.dma_semaphore, #tpu.memory_space<semaphore_mem>>) src(%arg10 : memref<128x64xf32, #tpu.memory_space<vmem>>) dst(%dma_wait3A_64 : memref<128x64xf32, #tpu.memory_space<hbm>>)
      tpu.yield
    }) : () -> ()
    %add3A_47 = arith.constant 128 : i32
    %add3A_48 = arith.addi %mul3A_2, %add3A_47 : i32
    "tpu.region"() ({
      %run_scoped3A = tpu.sem_alloc : memref<!tpu.dma_semaphore, #tpu.memory_space<semaphore_mem>>
      %dma_start3A = arith.constant 0 : i32
      %dma_start3A_55 = tpu.memref_slice %arg11[%add3A_48, %dma_start3A] : memref<10240x64xf32, #tpu.memory_space<vmem_shared>> -> memref<128x64xf32, #tpu.memory_space<vmem_shared>>
      %dma_start3A_56 = arith.constant 0 : i32
      %dma_start3A_57 = tpu.memref_slice %arg11[%add3A_48, %dma_start3A_56] : memref<10240x64xf32, #tpu.memory_space<vmem_shared>> -> memref<128x64xf32, #tpu.memory_space<vmem_shared>>
      tpu.enqueue_dma source(%dma_start3A_57 : memref<128x64xf32, #tpu.memory_space<vmem_shared>>) target(%arg10 : memref<128x64xf32, #tpu.memory_space<vmem>>) target_semaphore(%run_scoped3A : memref<!tpu.dma_semaphore, #tpu.memory_space<semaphore_mem>>)
      %dma_wait3A = arith.constant 0 : i32
      %dma_wait3A_58 = tpu.memref_slice %arg11[%add3A_48, %dma_wait3A] : memref<10240x64xf32, #tpu.memory_space<vmem_shared>> -> memref<128x64xf32, #tpu.memory_space<vmem_shared>>
      %dma_wait3A_59 = arith.constant 0 : i32
      %dma_wait3A_60 = tpu.memref_slice %arg11[%add3A_48, %dma_wait3A_59] : memref<10240x64xf32, #tpu.memory_space<vmem_shared>> -> memref<128x64xf32, #tpu.memory_space<vmem_shared>>
      tpu.wait_dma2 semaphore(%run_scoped3A : memref<!tpu.dma_semaphore, #tpu.memory_space<semaphore_mem>>) src(%dma_wait3A_60 : memref<128x64xf32, #tpu.memory_space<vmem_shared>>) dst(%arg10 : memref<128x64xf32, #tpu.memory_space<vmem>>)
      tpu.yield
    }) : () -> ()
    "tpu.region"() ({
      %run_scoped3A = tpu.sem_alloc : memref<!tpu.dma_semaphore, #tpu.memory_space<semaphore_mem>>
      %dma_start3A = arith.constant 0 : i32
      %dma_start3A_55 = tpu.memref_slice %arg6[%arg0, %add3A_48, %dma_start3A] : memref<2x10240x64xf32, #tpu.memory_space<hbm>> -> memref<1x128x64xf32, #tpu.memory_space<hbm>>
      %dma_start3A_56 = tpu.memref_squeeze %dma_start3A_55 : memref<1x128x64xf32, #tpu.memory_space<hbm>> -> memref<128x64xf32, #tpu.memory_space<hbm>>
      %dma_start3A_57 = arith.constant 0 : i32
      %dma_start3A_58 = tpu.memref_slice %arg6[%arg0, %add3A_48, %dma_start3A_57] : memref<2x10240x64xf32, #tpu.memory_space<hbm>> -> memref<1x128x64xf32, #tpu.memory_space<hbm>>
      %dma_start3A_59 = tpu.memref_squeeze %dma_start3A_58 : memref<1x128x64xf32, #tpu.memory_space<hbm>> -> memref<128x64xf32, #tpu.memory_space<hbm>>
      tpu.enqueue_dma source(%arg10 : memref<128x64xf32, #tpu.memory_space<vmem>>) target(%dma_start3A_59 : memref<128x64xf32, #tpu.memory_space<hbm>>) target_semaphore(%run_scoped3A : memref<!tpu.dma_semaphore, #tpu.memory_space<semaphore_mem>>)
      %dma_wait3A = arith.constant 0 : i32
      %dma_wait3A_60 = tpu.memref_slice %arg6[%arg0, %add3A_48, %dma_wait3A] : memref<2x10240x64xf32, #tpu.memory_space<hbm>> -> memref<1x128x64xf32, #tpu.memory_space<hbm>>
      %dma_wait3A_61 = tpu.memref_squeeze %dma_wait3A_60 : memref<1x128x64xf32, #tpu.memory_space<hbm>> -> memref<128x64xf32, #tpu.memory_space<hbm>>
      %dma_wait3A_62 = arith.constant 0 : i32
      %dma_wait3A_63 = tpu.memref_slice %arg6[%arg0, %add3A_48, %dma_wait3A_62] : memref<2x10240x64xf32, #tpu.memory_space<hbm>> -> memref<1x128x64xf32, #tpu.memory_space<hbm>>
      %dma_wait3A_64 = tpu.memref_squeeze %dma_wait3A_63 : memref<1x128x64xf32, #tpu.memory_space<hbm>> -> memref<128x64xf32, #tpu.memory_space<hbm>>
      tpu.wait_dma2 semaphore(%run_scoped3A : memref<!tpu.dma_semaphore, #tpu.memory_space<semaphore_mem>>) src(%arg10 : memref<128x64xf32, #tpu.memory_space<vmem>>) dst(%dma_wait3A_64 : memref<128x64xf32, #tpu.memory_space<hbm>>)
      tpu.yield
    }) : () -> ()
    %add3A_49 = arith.constant 256 : i32
    %add3A_50 = arith.addi %mul3A_2, %add3A_49 : i32
    "tpu.region"() ({
      %run_scoped3A = tpu.sem_alloc : memref<!tpu.dma_semaphore, #tpu.memory_space<semaphore_mem>>
      %dma_start3A = arith.constant 0 : i32
      %dma_start3A_55 = tpu.memref_slice %arg11[%add3A_50, %dma_start3A] : memref<10240x64xf32, #tpu.memory_space<vmem_shared>> -> memref<128x64xf32, #tpu.memory_space<vmem_shared>>
      %dma_start3A_56 = arith.constant 0 : i32
      %dma_start3A_57 = tpu.memref_slice %arg11[%add3A_50, %dma_start3A_56] : memref<10240x64xf32, #tpu.memory_space<vmem_shared>> -> memref<128x64xf32, #tpu.memory_space<vmem_shared>>
      tpu.enqueue_dma source(%dma_start3A_57 : memref<128x64xf32, #tpu.memory_space<vmem_shared>>) target(%arg10 : memref<128x64xf32, #tpu.memory_space<vmem>>) target_semaphore(%run_scoped3A : memref<!tpu.dma_semaphore, #tpu.memory_space<semaphore_mem>>)
      %dma_wait3A = arith.constant 0 : i32
      %dma_wait3A_58 = tpu.memref_slice %arg11[%add3A_50, %dma_wait3A] : memref<10240x64xf32, #tpu.memory_space<vmem_shared>> -> memref<128x64xf32, #tpu.memory_space<vmem_shared>>
      %dma_wait3A_59 = arith.constant 0 : i32
      %dma_wait3A_60 = tpu.memref_slice %arg11[%add3A_50, %dma_wait3A_59] : memref<10240x64xf32, #tpu.memory_space<vmem_shared>> -> memref<128x64xf32, #tpu.memory_space<vmem_shared>>
      tpu.wait_dma2 semaphore(%run_scoped3A : memref<!tpu.dma_semaphore, #tpu.memory_space<semaphore_mem>>) src(%dma_wait3A_60 : memref<128x64xf32, #tpu.memory_space<vmem_shared>>) dst(%arg10 : memref<128x64xf32, #tpu.memory_space<vmem>>)
      tpu.yield
    }) : () -> ()
    "tpu.region"() ({
      %run_scoped3A = tpu.sem_alloc : memref<!tpu.dma_semaphore, #tpu.memory_space<semaphore_mem>>
      %dma_start3A = arith.constant 0 : i32
      %dma_start3A_55 = tpu.memref_slice %arg6[%arg0, %add3A_50, %dma_start3A] : memref<2x10240x64xf32, #tpu.memory_space<hbm>> -> memref<1x128x64xf32, #tpu.memory_space<hbm>>
      %dma_start3A_56 = tpu.memref_squeeze %dma_start3A_55 : memref<1x128x64xf32, #tpu.memory_space<hbm>> -> memref<128x64xf32, #tpu.memory_space<hbm>>
      %dma_start3A_57 = arith.constant 0 : i32
      %dma_start3A_58 = tpu.memref_slice %arg6[%arg0, %add3A_50, %dma_start3A_57] : memref<2x10240x64xf32, #tpu.memory_space<hbm>> -> memref<1x128x64xf32, #tpu.memory_space<hbm>>
      %dma_start3A_59 = tpu.memref_squeeze %dma_start3A_58 : memref<1x128x64xf32, #tpu.memory_space<hbm>> -> memref<128x64xf32, #tpu.memory_space<hbm>>
      tpu.enqueue_dma source(%arg10 : memref<128x64xf32, #tpu.memory_space<vmem>>) target(%dma_start3A_59 : memref<128x64xf32, #tpu.memory_space<hbm>>) target_semaphore(%run_scoped3A : memref<!tpu.dma_semaphore, #tpu.memory_space<semaphore_mem>>)
      %dma_wait3A = arith.constant 0 : i32
      %dma_wait3A_60 = tpu.memref_slice %arg6[%arg0, %add3A_50, %dma_wait3A] : memref<2x10240x64xf32, #tpu.memory_space<hbm>> -> memref<1x128x64xf32, #tpu.memory_space<hbm>>
      %dma_wait3A_61 = tpu.memref_squeeze %dma_wait3A_60 : memref<1x128x64xf32, #tpu.memory_space<hbm>> -> memref<128x64xf32, #tpu.memory_space<hbm>>
      %dma_wait3A_62 = arith.constant 0 : i32
      %dma_wait3A_63 = tpu.memref_slice %arg6[%arg0, %add3A_50, %dma_wait3A_62] : memref<2x10240x64xf32, #tpu.memory_space<hbm>> -> memref<1x128x64xf32, #tpu.memory_space<hbm>>
      %dma_wait3A_64 = tpu.memref_squeeze %dma_wait3A_63 : memref<1x128x64xf32, #tpu.memory_space<hbm>> -> memref<128x64xf32, #tpu.memory_space<hbm>>
      tpu.wait_dma2 semaphore(%run_scoped3A : memref<!tpu.dma_semaphore, #tpu.memory_space<semaphore_mem>>) src(%arg10 : memref<128x64xf32, #tpu.memory_space<vmem>>) dst(%dma_wait3A_64 : memref<128x64xf32, #tpu.memory_space<hbm>>)
      tpu.yield
    }) : () -> ()
    %add3A_51 = arith.constant 384 : i32
    %add3A_52 = arith.addi %mul3A_2, %add3A_51 : i32
    "tpu.region"() ({
      %run_scoped3A = tpu.sem_alloc : memref<!tpu.dma_semaphore, #tpu.memory_space<semaphore_mem>>
      %dma_start3A = arith.constant 0 : i32
      %dma_start3A_55 = tpu.memref_slice %arg11[%add3A_52, %dma_start3A] : memref<10240x64xf32, #tpu.memory_space<vmem_shared>> -> memref<128x64xf32, #tpu.memory_space<vmem_shared>>
      %dma_start3A_56 = arith.constant 0 : i32
      %dma_start3A_57 = tpu.memref_slice %arg11[%add3A_52, %dma_start3A_56] : memref<10240x64xf32, #tpu.memory_space<vmem_shared>> -> memref<128x64xf32, #tpu.memory_space<vmem_shared>>
      tpu.enqueue_dma source(%dma_start3A_57 : memref<128x64xf32, #tpu.memory_space<vmem_shared>>) target(%arg10 : memref<128x64xf32, #tpu.memory_space<vmem>>) target_semaphore(%run_scoped3A : memref<!tpu.dma_semaphore, #tpu.memory_space<semaphore_mem>>)
      %dma_wait3A = arith.constant 0 : i32
      %dma_wait3A_58 = tpu.memref_slice %arg11[%add3A_52, %dma_wait3A] : memref<10240x64xf32, #tpu.memory_space<vmem_shared>> -> memref<128x64xf32, #tpu.memory_space<vmem_shared>>
      %dma_wait3A_59 = arith.constant 0 : i32
      %dma_wait3A_60 = tpu.memref_slice %arg11[%add3A_52, %dma_wait3A_59] : memref<10240x64xf32, #tpu.memory_space<vmem_shared>> -> memref<128x64xf32, #tpu.memory_space<vmem_shared>>
      tpu.wait_dma2 semaphore(%run_scoped3A : memref<!tpu.dma_semaphore, #tpu.memory_space<semaphore_mem>>) src(%dma_wait3A_60 : memref<128x64xf32, #tpu.memory_space<vmem_shared>>) dst(%arg10 : memref<128x64xf32, #tpu.memory_space<vmem>>)
      tpu.yield
    }) : () -> ()
    "tpu.region"() ({
      %run_scoped3A = tpu.sem_alloc : memref<!tpu.dma_semaphore, #tpu.memory_space<semaphore_mem>>
      %dma_start3A = arith.constant 0 : i32
      %dma_start3A_55 = tpu.memref_slice %arg6[%arg0, %add3A_52, %dma_start3A] : memref<2x10240x64xf32, #tpu.memory_space<hbm>> -> memref<1x128x64xf32, #tpu.memory_space<hbm>>
      %dma_start3A_56 = tpu.memref_squeeze %dma_start3A_55 : memref<1x128x64xf32, #tpu.memory_space<hbm>> -> memref<128x64xf32, #tpu.memory_space<hbm>>
      %dma_start3A_57 = arith.constant 0 : i32
      %dma_start3A_58 = tpu.memref_slice %arg6[%arg0, %add3A_52, %dma_start3A_57] : memref<2x10240x64xf32, #tpu.memory_space<hbm>> -> memref<1x128x64xf32, #tpu.memory_space<hbm>>
      %dma_start3A_59 = tpu.memref_squeeze %dma_start3A_58 : memref<1x128x64xf32, #tpu.memory_space<hbm>> -> memref<128x64xf32, #tpu.memory_space<hbm>>
      tpu.enqueue_dma source(%arg10 : memref<128x64xf32, #tpu.memory_space<vmem>>) target(%dma_start3A_59 : memref<128x64xf32, #tpu.memory_space<hbm>>) target_semaphore(%run_scoped3A : memref<!tpu.dma_semaphore, #tpu.memory_space<semaphore_mem>>)
      %dma_wait3A = arith.constant 0 : i32
      %dma_wait3A_60 = tpu.memref_slice %arg6[%arg0, %add3A_52, %dma_wait3A] : memref<2x10240x64xf32, #tpu.memory_space<hbm>> -> memref<1x128x64xf32, #tpu.memory_space<hbm>>
      %dma_wait3A_61 = tpu.memref_squeeze %dma_wait3A_60 : memref<1x128x64xf32, #tpu.memory_space<hbm>> -> memref<128x64xf32, #tpu.memory_space<hbm>>
      %dma_wait3A_62 = arith.constant 0 : i32
      %dma_wait3A_63 = tpu.memref_slice %arg6[%arg0, %add3A_52, %dma_wait3A_62] : memref<2x10240x64xf32, #tpu.memory_space<hbm>> -> memref<1x128x64xf32, #tpu.memory_space<hbm>>
      %dma_wait3A_64 = tpu.memref_squeeze %dma_wait3A_63 : memref<1x128x64xf32, #tpu.memory_space<hbm>> -> memref<128x64xf32, #tpu.memory_space<hbm>>
      tpu.wait_dma2 semaphore(%run_scoped3A : memref<!tpu.dma_semaphore, #tpu.memory_space<semaphore_mem>>) src(%arg10 : memref<128x64xf32, #tpu.memory_space<vmem>>) dst(%dma_wait3A_64 : memref<128x64xf32, #tpu.memory_space<hbm>>)
      tpu.yield
    }) : () -> ()
    %add3A_53 = arith.constant 512 : i32
    %add3A_54 = arith.addi %mul3A_2, %add3A_53 : i32
    "tpu.region"() ({
      %run_scoped3A = tpu.sem_alloc : memref<!tpu.dma_semaphore, #tpu.memory_space<semaphore_mem>>
      %dma_start3A = arith.constant 0 : i32
      %dma_start3A_55 = tpu.memref_slice %arg11[%add3A_54, %dma_start3A] : memref<10240x64xf32, #tpu.memory_space<vmem_shared>> -> memref<128x64xf32, #tpu.memory_space<vmem_shared>>
      %dma_start3A_56 = arith.constant 0 : i32
      %dma_start3A_57 = tpu.memref_slice %arg11[%add3A_54, %dma_start3A_56] : memref<10240x64xf32, #tpu.memory_space<vmem_shared>> -> memref<128x64xf32, #tpu.memory_space<vmem_shared>>
      tpu.enqueue_dma source(%dma_start3A_57 : memref<128x64xf32, #tpu.memory_space<vmem_shared>>) target(%arg10 : memref<128x64xf32, #tpu.memory_space<vmem>>) target_semaphore(%run_scoped3A : memref<!tpu.dma_semaphore, #tpu.memory_space<semaphore_mem>>)
      %dma_wait3A = arith.constant 0 : i32
      %dma_wait3A_58 = tpu.memref_slice %arg11[%add3A_54, %dma_wait3A] : memref<10240x64xf32, #tpu.memory_space<vmem_shared>> -> memref<128x64xf32, #tpu.memory_space<vmem_shared>>
      %dma_wait3A_59 = arith.constant 0 : i32
      %dma_wait3A_60 = tpu.memref_slice %arg11[%add3A_54, %dma_wait3A_59] : memref<10240x64xf32, #tpu.memory_space<vmem_shared>> -> memref<128x64xf32, #tpu.memory_space<vmem_shared>>
      tpu.wait_dma2 semaphore(%run_scoped3A : memref<!tpu.dma_semaphore, #tpu.memory_space<semaphore_mem>>) src(%dma_wait3A_60 : memref<128x64xf32, #tpu.memory_space<vmem_shared>>) dst(%arg10 : memref<128x64xf32, #tpu.memory_space<vmem>>)
      tpu.yield
    }) : () -> ()
    "tpu.region"() ({
      %run_scoped3A = tpu.sem_alloc : memref<!tpu.dma_semaphore, #tpu.memory_space<semaphore_mem>>
      %dma_start3A = arith.constant 0 : i32
      %dma_start3A_55 = tpu.memref_slice %arg6[%arg0, %add3A_54, %dma_start3A] : memref<2x10240x64xf32, #tpu.memory_space<hbm>> -> memref<1x128x64xf32, #tpu.memory_space<hbm>>
      %dma_start3A_56 = tpu.memref_squeeze %dma_start3A_55 : memref<1x128x64xf32, #tpu.memory_space<hbm>> -> memref<128x64xf32, #tpu.memory_space<hbm>>
      %dma_start3A_57 = arith.constant 0 : i32
      %dma_start3A_58 = tpu.memref_slice %arg6[%arg0, %add3A_54, %dma_start3A_57] : memref<2x10240x64xf32, #tpu.memory_space<hbm>> -> memref<1x128x64xf32, #tpu.memory_space<hbm>>
      %dma_start3A_59 = tpu.memref_squeeze %dma_start3A_58 : memref<1x128x64xf32, #tpu.memory_space<hbm>> -> memref<128x64xf32, #tpu.memory_space<hbm>>
      tpu.enqueue_dma source(%arg10 : memref<128x64xf32, #tpu.memory_space<vmem>>) target(%dma_start3A_59 : memref<128x64xf32, #tpu.memory_space<hbm>>) target_semaphore(%run_scoped3A : memref<!tpu.dma_semaphore, #tpu.memory_space<semaphore_mem>>)
      %dma_wait3A = arith.constant 0 : i32
      %dma_wait3A_60 = tpu.memref_slice %arg6[%arg0, %add3A_54, %dma_wait3A] : memref<2x10240x64xf32, #tpu.memory_space<hbm>> -> memref<1x128x64xf32, #tpu.memory_space<hbm>>
      %dma_wait3A_61 = tpu.memref_squeeze %dma_wait3A_60 : memref<1x128x64xf32, #tpu.memory_space<hbm>> -> memref<128x64xf32, #tpu.memory_space<hbm>>
      %dma_wait3A_62 = arith.constant 0 : i32
      %dma_wait3A_63 = tpu.memref_slice %arg6[%arg0, %add3A_54, %dma_wait3A_62] : memref<2x10240x64xf32, #tpu.memory_space<hbm>> -> memref<1x128x64xf32, #tpu.memory_space<hbm>>
      %dma_wait3A_64 = tpu.memref_squeeze %dma_wait3A_63 : memref<1x128x64xf32, #tpu.memory_space<hbm>> -> memref<128x64xf32, #tpu.memory_space<hbm>>
      tpu.wait_dma2 semaphore(%run_scoped3A : memref<!tpu.dma_semaphore, #tpu.memory_space<semaphore_mem>>) src(%arg10 : memref<128x64xf32, #tpu.memory_space<vmem>>) dst(%dma_wait3A_64 : memref<128x64xf32, #tpu.memory_space<hbm>>)
      tpu.yield
    }) : () -> ()
    return
  }
}

#map = affine_map<(d0, d1) -> (0, 0)>
#map1 = affine_map<(d0, d1) -> (0)>
#map2 = affine_map<(d0, d1) -> (0, 0, 0)>
module attributes {stable_mosaic.version = 14 : i64} {
  func.func @scatter(%arg0: i32, %arg1: i32, %arg2: memref<10000x128xf32, #tpu.memory_space<hbm>>, %arg3: memref<320000xi32, #tpu.memory_space<hbm>>, %arg4: memref<320000xi32, #tpu.memory_space<hbm>>, %arg5: memref<128x128xf32, #tpu.memory_space<hbm>>, %arg6: memref<2x10240x128xf32, #tpu.memory_space<hbm>>, %arg7: memref<128xi32, #tpu.memory_space<vmem>>, %arg8: memref<128xi32, #tpu.memory_space<vmem>>, %arg9: memref<128x128xf32, #tpu.memory_space<vmem>>, %arg10: memref<128x128xf32, #tpu.memory_space<vmem>>, %arg11: memref<10240x128xf32, #tpu.memory_space<vmem_shared>>, %arg12: memref<!tpu.dma_semaphore, #tpu.memory_space<semaphore_mem>>) attributes {dimension_semantics = [#tpu.dimension_semantics<core_parallel>, #tpu.dimension_semantics<subcore_parallel>], iteration_bounds = array<i64: 2, 16>, scalar_prefetch = 0 : i64, scratch_operands = 6 : i64, tpu.core_type = #tpu.core_type<sc_vector_subcore>, window_params = [{transform_indices = #map}, {transform_indices = #map1}, {transform_indices = #map1}, {transform_indices = #map}, {transform_indices = #map2}]} {
    %mul3A = arith.constant 2 : i32
    %mul3A_0 = arith.muli %arg1, %mul3A : i32
    %add3A = arith.addi %mul3A_0, %arg0 : i32
    %mul3A_1 = arith.constant 640 : i32
    %mul3A_2 = arith.muli %arg1, %mul3A_1 : i32
    "tpu.region"() ({
      %run_scoped3A = tpu.sem_alloc : memref<!tpu.dma_semaphore, #tpu.memory_space<semaphore_mem>>
      tpu.enqueue_dma source(%arg5 : memref<128x128xf32, #tpu.memory_space<hbm>>) target(%arg10 : memref<128x128xf32, #tpu.memory_space<vmem>>) target_semaphore(%run_scoped3A : memref<!tpu.dma_semaphore, #tpu.memory_space<semaphore_mem>>)
      tpu.wait_dma2 semaphore(%run_scoped3A : memref<!tpu.dma_semaphore, #tpu.memory_space<semaphore_mem>>) src(%arg5 : memref<128x128xf32, #tpu.memory_space<hbm>>) dst(%arg10 : memref<128x128xf32, #tpu.memory_space<vmem>>)
      tpu.yield
    }) : () -> ()
    %add3A_3 = arith.constant 0 : i32
    %add3A_4 = arith.addi %mul3A_2, %add3A_3 : i32
    "tpu.region"() ({
      %run_scoped3A = tpu.sem_alloc : memref<!tpu.dma_semaphore, #tpu.memory_space<semaphore_mem>>
      %dma_start3A = arith.constant 0 : i32
      %dma_start3A_55 = tpu.memref_slice %arg11[%add3A_4, %dma_start3A] : memref<10240x128xf32, #tpu.memory_space<vmem_shared>> -> memref<128x128xf32, #tpu.memory_space<vmem_shared>>
      %dma_start3A_56 = arith.constant 0 : i32
      %dma_start3A_57 = tpu.memref_slice %arg11[%add3A_4, %dma_start3A_56] : memref<10240x128xf32, #tpu.memory_space<vmem_shared>> -> memref<128x128xf32, #tpu.memory_space<vmem_shared>>
      tpu.enqueue_dma source(%arg10 : memref<128x128xf32, #tpu.memory_space<vmem>>) target(%dma_start3A_57 : memref<128x128xf32, #tpu.memory_space<vmem_shared>>) target_semaphore(%run_scoped3A : memref<!tpu.dma_semaphore, #tpu.memory_space<semaphore_mem>>)
      %dma_wait3A = arith.constant 0 : i32
      %dma_wait3A_58 = tpu.memref_slice %arg11[%add3A_4, %dma_wait3A] : memref<10240x128xf32, #tpu.memory_space<vmem_shared>> -> memref<128x128xf32, #tpu.memory_space<vmem_shared>>
      %dma_wait3A_59 = arith.constant 0 : i32
      %dma_wait3A_60 = tpu.memref_slice %arg11[%add3A_4, %dma_wait3A_59] : memref<10240x128xf32, #tpu.memory_space<vmem_shared>> -> memref<128x128xf32, #tpu.memory_space<vmem_shared>>
      tpu.wait_dma2 semaphore(%run_scoped3A : memref<!tpu.dma_semaphore, #tpu.memory_space<semaphore_mem>>) src(%arg10 : memref<128x128xf32, #tpu.memory_space<vmem>>) dst(%dma_wait3A_60 : memref<128x128xf32, #tpu.memory_space<vmem_shared>>)
      tpu.yield
    }) : () -> ()
    %add3A_5 = arith.constant 128 : i32
    %add3A_6 = arith.addi %mul3A_2, %add3A_5 : i32
    "tpu.region"() ({
      %run_scoped3A = tpu.sem_alloc : memref<!tpu.dma_semaphore, #tpu.memory_space<semaphore_mem>>
      %dma_start3A = arith.constant 0 : i32
      %dma_start3A_55 = tpu.memref_slice %arg11[%add3A_6, %dma_start3A] : memref<10240x128xf32, #tpu.memory_space<vmem_shared>> -> memref<128x128xf32, #tpu.memory_space<vmem_shared>>
      %dma_start3A_56 = arith.constant 0 : i32
      %dma_start3A_57 = tpu.memref_slice %arg11[%add3A_6, %dma_start3A_56] : memref<10240x128xf32, #tpu.memory_space<vmem_shared>> -> memref<128x128xf32, #tpu.memory_space<vmem_shared>>
      tpu.enqueue_dma source(%arg10 : memref<128x128xf32, #tpu.memory_space<vmem>>) target(%dma_start3A_57 : memref<128x128xf32, #tpu.memory_space<vmem_shared>>) target_semaphore(%run_scoped3A : memref<!tpu.dma_semaphore, #tpu.memory_space<semaphore_mem>>)
      %dma_wait3A = arith.constant 0 : i32
      %dma_wait3A_58 = tpu.memref_slice %arg11[%add3A_6, %dma_wait3A] : memref<10240x128xf32, #tpu.memory_space<vmem_shared>> -> memref<128x128xf32, #tpu.memory_space<vmem_shared>>
      %dma_wait3A_59 = arith.constant 0 : i32
      %dma_wait3A_60 = tpu.memref_slice %arg11[%add3A_6, %dma_wait3A_59] : memref<10240x128xf32, #tpu.memory_space<vmem_shared>> -> memref<128x128xf32, #tpu.memory_space<vmem_shared>>
      tpu.wait_dma2 semaphore(%run_scoped3A : memref<!tpu.dma_semaphore, #tpu.memory_space<semaphore_mem>>) src(%arg10 : memref<128x128xf32, #tpu.memory_space<vmem>>) dst(%dma_wait3A_60 : memref<128x128xf32, #tpu.memory_space<vmem_shared>>)
      tpu.yield
    }) : () -> ()
    %add3A_7 = arith.constant 256 : i32
    %add3A_8 = arith.addi %mul3A_2, %add3A_7 : i32
    "tpu.region"() ({
      %run_scoped3A = tpu.sem_alloc : memref<!tpu.dma_semaphore, #tpu.memory_space<semaphore_mem>>
      %dma_start3A = arith.constant 0 : i32
      %dma_start3A_55 = tpu.memref_slice %arg11[%add3A_8, %dma_start3A] : memref<10240x128xf32, #tpu.memory_space<vmem_shared>> -> memref<128x128xf32, #tpu.memory_space<vmem_shared>>
      %dma_start3A_56 = arith.constant 0 : i32
      %dma_start3A_57 = tpu.memref_slice %arg11[%add3A_8, %dma_start3A_56] : memref<10240x128xf32, #tpu.memory_space<vmem_shared>> -> memref<128x128xf32, #tpu.memory_space<vmem_shared>>
      tpu.enqueue_dma source(%arg10 : memref<128x128xf32, #tpu.memory_space<vmem>>) target(%dma_start3A_57 : memref<128x128xf32, #tpu.memory_space<vmem_shared>>) target_semaphore(%run_scoped3A : memref<!tpu.dma_semaphore, #tpu.memory_space<semaphore_mem>>)
      %dma_wait3A = arith.constant 0 : i32
      %dma_wait3A_58 = tpu.memref_slice %arg11[%add3A_8, %dma_wait3A] : memref<10240x128xf32, #tpu.memory_space<vmem_shared>> -> memref<128x128xf32, #tpu.memory_space<vmem_shared>>
      %dma_wait3A_59 = arith.constant 0 : i32
      %dma_wait3A_60 = tpu.memref_slice %arg11[%add3A_8, %dma_wait3A_59] : memref<10240x128xf32, #tpu.memory_space<vmem_shared>> -> memref<128x128xf32, #tpu.memory_space<vmem_shared>>
      tpu.wait_dma2 semaphore(%run_scoped3A : memref<!tpu.dma_semaphore, #tpu.memory_space<semaphore_mem>>) src(%arg10 : memref<128x128xf32, #tpu.memory_space<vmem>>) dst(%dma_wait3A_60 : memref<128x128xf32, #tpu.memory_space<vmem_shared>>)
      tpu.yield
    }) : () -> ()
    %add3A_9 = arith.constant 384 : i32
    %add3A_10 = arith.addi %mul3A_2, %add3A_9 : i32
    "tpu.region"() ({
      %run_scoped3A = tpu.sem_alloc : memref<!tpu.dma_semaphore, #tpu.memory_space<semaphore_mem>>
      %dma_start3A = arith.constant 0 : i32
      %dma_start3A_55 = tpu.memref_slice %arg11[%add3A_10, %dma_start3A] : memref<10240x128xf32, #tpu.memory_space<vmem_shared>> -> memref<128x128xf32, #tpu.memory_space<vmem_shared>>
      %dma_start3A_56 = arith.constant 0 : i32
      %dma_start3A_57 = tpu.memref_slice %arg11[%add3A_10, %dma_start3A_56] : memref<10240x128xf32, #tpu.memory_space<vmem_shared>> -> memref<128x128xf32, #tpu.memory_space<vmem_shared>>
      tpu.enqueue_dma source(%arg10 : memref<128x128xf32, #tpu.memory_space<vmem>>) target(%dma_start3A_57 : memref<128x128xf32, #tpu.memory_space<vmem_shared>>) target_semaphore(%run_scoped3A : memref<!tpu.dma_semaphore, #tpu.memory_space<semaphore_mem>>)
      %dma_wait3A = arith.constant 0 : i32
      %dma_wait3A_58 = tpu.memref_slice %arg11[%add3A_10, %dma_wait3A] : memref<10240x128xf32, #tpu.memory_space<vmem_shared>> -> memref<128x128xf32, #tpu.memory_space<vmem_shared>>
      %dma_wait3A_59 = arith.constant 0 : i32
      %dma_wait3A_60 = tpu.memref_slice %arg11[%add3A_10, %dma_wait3A_59] : memref<10240x128xf32, #tpu.memory_space<vmem_shared>> -> memref<128x128xf32, #tpu.memory_space<vmem_shared>>
      tpu.wait_dma2 semaphore(%run_scoped3A : memref<!tpu.dma_semaphore, #tpu.memory_space<semaphore_mem>>) src(%arg10 : memref<128x128xf32, #tpu.memory_space<vmem>>) dst(%dma_wait3A_60 : memref<128x128xf32, #tpu.memory_space<vmem_shared>>)
      tpu.yield
    }) : () -> ()
    %add3A_11 = arith.constant 512 : i32
    %add3A_12 = arith.addi %mul3A_2, %add3A_11 : i32
    "tpu.region"() ({
      %run_scoped3A = tpu.sem_alloc : memref<!tpu.dma_semaphore, #tpu.memory_space<semaphore_mem>>
      %dma_start3A = arith.constant 0 : i32
      %dma_start3A_55 = tpu.memref_slice %arg11[%add3A_12, %dma_start3A] : memref<10240x128xf32, #tpu.memory_space<vmem_shared>> -> memref<128x128xf32, #tpu.memory_space<vmem_shared>>
      %dma_start3A_56 = arith.constant 0 : i32
      %dma_start3A_57 = tpu.memref_slice %arg11[%add3A_12, %dma_start3A_56] : memref<10240x128xf32, #tpu.memory_space<vmem_shared>> -> memref<128x128xf32, #tpu.memory_space<vmem_shared>>
      tpu.enqueue_dma source(%arg10 : memref<128x128xf32, #tpu.memory_space<vmem>>) target(%dma_start3A_57 : memref<128x128xf32, #tpu.memory_space<vmem_shared>>) target_semaphore(%run_scoped3A : memref<!tpu.dma_semaphore, #tpu.memory_space<semaphore_mem>>)
      %dma_wait3A = arith.constant 0 : i32
      %dma_wait3A_58 = tpu.memref_slice %arg11[%add3A_12, %dma_wait3A] : memref<10240x128xf32, #tpu.memory_space<vmem_shared>> -> memref<128x128xf32, #tpu.memory_space<vmem_shared>>
      %dma_wait3A_59 = arith.constant 0 : i32
      %dma_wait3A_60 = tpu.memref_slice %arg11[%add3A_12, %dma_wait3A_59] : memref<10240x128xf32, #tpu.memory_space<vmem_shared>> -> memref<128x128xf32, #tpu.memory_space<vmem_shared>>
      tpu.wait_dma2 semaphore(%run_scoped3A : memref<!tpu.dma_semaphore, #tpu.memory_space<semaphore_mem>>) src(%arg10 : memref<128x128xf32, #tpu.memory_space<vmem>>) dst(%dma_wait3A_60 : memref<128x128xf32, #tpu.memory_space<vmem_shared>>)
      tpu.yield
    }) : () -> ()
    %barrier3A = arith.constant 0 : index
    tpu.barrier barrier_id(%barrier3A)
    %sub3A = arith.constant 2500 : i32
    %sub3A_13 = arith.subi %sub3A, %add3A : i32
    %add3A_14 = arith.constant 32 : i32
    %add3A_15 = arith.addi %sub3A_13, %add3A_14 : i32
    %sub3A_16 = arith.constant 1 : i32
    %sub3A_17 = arith.subi %add3A_15, %sub3A_16 : i32
    %jit3A = arith.constant 32 : i32
    %div3A = arith.divsi %sub3A_17, %jit3A : i32
    %sign3A = arith.constant 0 : i32
    %sign3A_18 = arith.cmpi sgt, %sub3A_17, %sign3A : i32
    %sign3A_19 = arith.extui %sign3A_18 : i1 to i32
    %sign3A_20 = arith.constant 0 : i32
    %sign3A_21 = arith.cmpi slt, %sub3A_17, %sign3A_20 : i32
    %sign3A_22 = arith.extui %sign3A_21 : i1 to i32
    %sign3A_23 = arith.subi %sign3A_19, %sign3A_22 : i32
    %sign3A_24 = arith.constant 0 : i32
    %sign3A_25 = arith.cmpi sgt, %jit3A, %sign3A_24 : i32
    %sign3A_26 = arith.extui %sign3A_25 : i1 to i32
    %sign3A_27 = arith.constant 0 : i32
    %sign3A_28 = arith.cmpi slt, %jit3A, %sign3A_27 : i32
    %sign3A_29 = arith.extui %sign3A_28 : i1 to i32
    %sign3A_30 = arith.subi %sign3A_26, %sign3A_29 : i32
    %ne3A = arith.cmpi ne, %sign3A_23, %sign3A_30 : i32
    %rem3A = arith.remsi %sub3A_17, %jit3A : i32
    %ne3A_31 = arith.constant 0 : i32
    %ne3A_32 = arith.cmpi ne, %rem3A, %ne3A_31 : i32
    %and3A = arith.andi %ne3A, %ne3A_32 : i1
    %sub3A_33 = arith.constant 1 : i32
    %sub3A_34 = arith.subi %div3A, %sub3A_33 : i32
    %select_n3A = arith.select %and3A, %sub3A_34, %div3A : i32
    %while3A = arith.constant 0 : i32
    %while3A_35 = arith.constant 0 : i32
    %while3A_36 = arith.subi %select_n3A, %while3A_35 : i32
    %while3A_37 = arith.addi %while3A_35, %while3A_36 : i32
    %while3A_38 = arith.constant 1 : i32
    %while3A_39 = arith.divsi %while3A_36, %while3A_38 : i32
    %while3A_40 = arith.muli %while3A_39, %while3A_38 : i32
    %while3A_41 = arith.addi %while3A_35, %while3A_40 : i32
    %while3A_42 = arith.constant 1 : i32
    scf.for %while3A_55 = %while3A_35 to %while3A_41 step %while3A_42  : i32 {
      %mul3A_56 = arith.constant 32 : i32
      %mul3A_57 = arith.muli %while3A_55, %mul3A_56 : i32
      %add3A_58 = arith.addi %add3A, %mul3A_57 : i32
      %mul3A_59 = arith.constant 128 : i32
      %mul3A_60 = arith.muli %add3A_58, %mul3A_59 : i32
      "tpu.region"() ({
        %run_scoped3A = tpu.sem_alloc : memref<!tpu.dma_semaphore, #tpu.memory_space<semaphore_mem>>
        %dma_start3A_65 = tpu.memref_slice %arg3[%mul3A_60] : memref<320000xi32, #tpu.memory_space<hbm>> -> memref<128xi32, #tpu.memory_space<hbm>>
        %dma_start3A_66 = tpu.memref_slice %arg3[%mul3A_60] : memref<320000xi32, #tpu.memory_space<hbm>> -> memref<128xi32, #tpu.memory_space<hbm>>
        tpu.enqueue_dma source(%dma_start3A_66 : memref<128xi32, #tpu.memory_space<hbm>>) target(%arg7 : memref<128xi32, #tpu.memory_space<vmem>>) target_semaphore(%run_scoped3A : memref<!tpu.dma_semaphore, #tpu.memory_space<semaphore_mem>>)
        %dma_wait3A_67 = tpu.memref_slice %arg3[%mul3A_60] : memref<320000xi32, #tpu.memory_space<hbm>> -> memref<128xi32, #tpu.memory_space<hbm>>
        %dma_wait3A_68 = tpu.memref_slice %arg3[%mul3A_60] : memref<320000xi32, #tpu.memory_space<hbm>> -> memref<128xi32, #tpu.memory_space<hbm>>
        tpu.wait_dma2 semaphore(%run_scoped3A : memref<!tpu.dma_semaphore, #tpu.memory_space<semaphore_mem>>) src(%dma_wait3A_68 : memref<128xi32, #tpu.memory_space<hbm>>) dst(%arg7 : memref<128xi32, #tpu.memory_space<vmem>>)
        tpu.yield
      }) : () -> ()
      "tpu.region"() ({
        %run_scoped3A = tpu.sem_alloc : memref<!tpu.dma_semaphore, #tpu.memory_space<semaphore_mem>>
        %dma_start3A_65 = tpu.memref_slice %arg4[%mul3A_60] : memref<320000xi32, #tpu.memory_space<hbm>> -> memref<128xi32, #tpu.memory_space<hbm>>
        %dma_start3A_66 = tpu.memref_slice %arg4[%mul3A_60] : memref<320000xi32, #tpu.memory_space<hbm>> -> memref<128xi32, #tpu.memory_space<hbm>>
        tpu.enqueue_dma source(%dma_start3A_66 : memref<128xi32, #tpu.memory_space<hbm>>) target(%arg8 : memref<128xi32, #tpu.memory_space<vmem>>) target_semaphore(%run_scoped3A : memref<!tpu.dma_semaphore, #tpu.memory_space<semaphore_mem>>)
        %dma_wait3A_67 = tpu.memref_slice %arg4[%mul3A_60] : memref<320000xi32, #tpu.memory_space<hbm>> -> memref<128xi32, #tpu.memory_space<hbm>>
        %dma_wait3A_68 = tpu.memref_slice %arg4[%mul3A_60] : memref<320000xi32, #tpu.memory_space<hbm>> -> memref<128xi32, #tpu.memory_space<hbm>>
        tpu.wait_dma2 semaphore(%run_scoped3A : memref<!tpu.dma_semaphore, #tpu.memory_space<semaphore_mem>>) src(%dma_wait3A_68 : memref<128xi32, #tpu.memory_space<hbm>>) dst(%arg8 : memref<128xi32, #tpu.memory_space<vmem>>)
        tpu.yield
      }) : () -> ()
      %dma_start3A = arith.constant 0 : i32
      %dma_start3A_61 = arith.constant 0 : i32
      %dma_start3A_62 = tpu.memref_slice %arg2[%dma_start3A, %dma_start3A_61] : memref<10000x128xf32, #tpu.memory_space<hbm>> -> memref<10000x128xf32, #tpu.memory_space<hbm>>
      tpu.enqueue_indirect_dma source(%dma_start3A_62 : memref<10000x128xf32, #tpu.memory_space<hbm>>) target(%arg9 : memref<128x128xf32, #tpu.memory_space<vmem>>) offsets(%arg7 : memref<128xi32, #tpu.memory_space<vmem>>) semaphore(%arg12 : memref<!tpu.dma_semaphore, #tpu.memory_space<semaphore_mem>>)
      %dma_wait3A = arith.constant 0 : i32
      %dma_wait3A_63 = arith.constant 0 : i32
      %dma_wait3A_64 = tpu.memref_slice %arg2[%dma_wait3A, %dma_wait3A_63] : memref<10000x128xf32, #tpu.memory_space<hbm>> -> memref<10000x128xf32, #tpu.memory_space<hbm>>
      tpu.wait_indirect_dma semaphore(%arg12 : memref<!tpu.dma_semaphore, #tpu.memory_space<semaphore_mem>>) src(%dma_wait3A_64 : memref<10000x128xf32, #tpu.memory_space<hbm>>) dst(%arg9 : memref<128x128xf32, #tpu.memory_space<vmem>>)
      "tpu.region"() ({
        %run_scoped3A = tpu.sem_alloc : memref<!tpu.dma_semaphore, #tpu.memory_space<semaphore_mem>>
        %dma_start3A_65 = arith.constant 0 : i32
        %dma_start3A_66 = arith.constant 0 : i32
        %dma_start3A_67 = tpu.memref_slice %arg11[%dma_start3A_65, %dma_start3A_66] : memref<10240x128xf32, #tpu.memory_space<vmem_shared>> -> memref<10240x128xf32, #tpu.memory_space<vmem_shared>>
        tpu.enqueue_indirect_dma source(%arg9 : memref<128x128xf32, #tpu.memory_space<vmem>>) target(%dma_start3A_67 : memref<10240x128xf32, #tpu.memory_space<vmem_shared>>) offsets(%arg8 : memref<128xi32, #tpu.memory_space<vmem>>) semaphore(%run_scoped3A : memref<!tpu.dma_semaphore, #tpu.memory_space<semaphore_mem>>) {add = true}
        %dma_wait3A_68 = arith.constant 0 : i32
        %dma_wait3A_69 = arith.constant 0 : i32
        %dma_wait3A_70 = tpu.memref_slice %arg11[%dma_wait3A_68, %dma_wait3A_69] : memref<10240x128xf32, #tpu.memory_space<vmem_shared>> -> memref<10240x128xf32, #tpu.memory_space<vmem_shared>>
        tpu.wait_indirect_dma semaphore(%run_scoped3A : memref<!tpu.dma_semaphore, #tpu.memory_space<semaphore_mem>>) src(%arg9 : memref<128x128xf32, #tpu.memory_space<vmem>>) dst(%dma_wait3A_70 : memref<10240x128xf32, #tpu.memory_space<vmem_shared>>)
        tpu.yield
      }) : () -> ()
    }
    %while3A_43 = arith.constant 1 : i32
    scf.for %while3A_55 = %while3A_41 to %while3A_37 step %while3A_43  : i32 {
      %mul3A_56 = arith.constant 32 : i32
      %mul3A_57 = arith.muli %while3A_55, %mul3A_56 : i32
      %add3A_58 = arith.addi %add3A, %mul3A_57 : i32
      %mul3A_59 = arith.constant 128 : i32
      %mul3A_60 = arith.muli %add3A_58, %mul3A_59 : i32
      "tpu.region"() ({
        %run_scoped3A = tpu.sem_alloc : memref<!tpu.dma_semaphore, #tpu.memory_space<semaphore_mem>>
        %dma_start3A_65 = tpu.memref_slice %arg3[%mul3A_60] : memref<320000xi32, #tpu.memory_space<hbm>> -> memref<128xi32, #tpu.memory_space<hbm>>
        %dma_start3A_66 = tpu.memref_slice %arg3[%mul3A_60] : memref<320000xi32, #tpu.memory_space<hbm>> -> memref<128xi32, #tpu.memory_space<hbm>>
        tpu.enqueue_dma source(%dma_start3A_66 : memref<128xi32, #tpu.memory_space<hbm>>) target(%arg7 : memref<128xi32, #tpu.memory_space<vmem>>) target_semaphore(%run_scoped3A : memref<!tpu.dma_semaphore, #tpu.memory_space<semaphore_mem>>)
        %dma_wait3A_67 = tpu.memref_slice %arg3[%mul3A_60] : memref<320000xi32, #tpu.memory_space<hbm>> -> memref<128xi32, #tpu.memory_space<hbm>>
        %dma_wait3A_68 = tpu.memref_slice %arg3[%mul3A_60] : memref<320000xi32, #tpu.memory_space<hbm>> -> memref<128xi32, #tpu.memory_space<hbm>>
        tpu.wait_dma2 semaphore(%run_scoped3A : memref<!tpu.dma_semaphore, #tpu.memory_space<semaphore_mem>>) src(%dma_wait3A_68 : memref<128xi32, #tpu.memory_space<hbm>>) dst(%arg7 : memref<128xi32, #tpu.memory_space<vmem>>)
        tpu.yield
      }) : () -> ()
      "tpu.region"() ({
        %run_scoped3A = tpu.sem_alloc : memref<!tpu.dma_semaphore, #tpu.memory_space<semaphore_mem>>
        %dma_start3A_65 = tpu.memref_slice %arg4[%mul3A_60] : memref<320000xi32, #tpu.memory_space<hbm>> -> memref<128xi32, #tpu.memory_space<hbm>>
        %dma_start3A_66 = tpu.memref_slice %arg4[%mul3A_60] : memref<320000xi32, #tpu.memory_space<hbm>> -> memref<128xi32, #tpu.memory_space<hbm>>
        tpu.enqueue_dma source(%dma_start3A_66 : memref<128xi32, #tpu.memory_space<hbm>>) target(%arg8 : memref<128xi32, #tpu.memory_space<vmem>>) target_semaphore(%run_scoped3A : memref<!tpu.dma_semaphore, #tpu.memory_space<semaphore_mem>>)
        %dma_wait3A_67 = tpu.memref_slice %arg4[%mul3A_60] : memref<320000xi32, #tpu.memory_space<hbm>> -> memref<128xi32, #tpu.memory_space<hbm>>
        %dma_wait3A_68 = tpu.memref_slice %arg4[%mul3A_60] : memref<320000xi32, #tpu.memory_space<hbm>> -> memref<128xi32, #tpu.memory_space<hbm>>
        tpu.wait_dma2 semaphore(%run_scoped3A : memref<!tpu.dma_semaphore, #tpu.memory_space<semaphore_mem>>) src(%dma_wait3A_68 : memref<128xi32, #tpu.memory_space<hbm>>) dst(%arg8 : memref<128xi32, #tpu.memory_space<vmem>>)
        tpu.yield
      }) : () -> ()
      %dma_start3A = arith.constant 0 : i32
      %dma_start3A_61 = arith.constant 0 : i32
      %dma_start3A_62 = tpu.memref_slice %arg2[%dma_start3A, %dma_start3A_61] : memref<10000x128xf32, #tpu.memory_space<hbm>> -> memref<10000x128xf32, #tpu.memory_space<hbm>>
      tpu.enqueue_indirect_dma source(%dma_start3A_62 : memref<10000x128xf32, #tpu.memory_space<hbm>>) target(%arg9 : memref<128x128xf32, #tpu.memory_space<vmem>>) offsets(%arg7 : memref<128xi32, #tpu.memory_space<vmem>>) semaphore(%arg12 : memref<!tpu.dma_semaphore, #tpu.memory_space<semaphore_mem>>)
      %dma_wait3A = arith.constant 0 : i32
      %dma_wait3A_63 = arith.constant 0 : i32
      %dma_wait3A_64 = tpu.memref_slice %arg2[%dma_wait3A, %dma_wait3A_63] : memref<10000x128xf32, #tpu.memory_space<hbm>> -> memref<10000x128xf32, #tpu.memory_space<hbm>>
      tpu.wait_indirect_dma semaphore(%arg12 : memref<!tpu.dma_semaphore, #tpu.memory_space<semaphore_mem>>) src(%dma_wait3A_64 : memref<10000x128xf32, #tpu.memory_space<hbm>>) dst(%arg9 : memref<128x128xf32, #tpu.memory_space<vmem>>)
      "tpu.region"() ({
        %run_scoped3A = tpu.sem_alloc : memref<!tpu.dma_semaphore, #tpu.memory_space<semaphore_mem>>
        %dma_start3A_65 = arith.constant 0 : i32
        %dma_start3A_66 = arith.constant 0 : i32
        %dma_start3A_67 = tpu.memref_slice %arg11[%dma_start3A_65, %dma_start3A_66] : memref<10240x128xf32, #tpu.memory_space<vmem_shared>> -> memref<10240x128xf32, #tpu.memory_space<vmem_shared>>
        tpu.enqueue_indirect_dma source(%arg9 : memref<128x128xf32, #tpu.memory_space<vmem>>) target(%dma_start3A_67 : memref<10240x128xf32, #tpu.memory_space<vmem_shared>>) offsets(%arg8 : memref<128xi32, #tpu.memory_space<vmem>>) semaphore(%run_scoped3A : memref<!tpu.dma_semaphore, #tpu.memory_space<semaphore_mem>>) {add = true}
        %dma_wait3A_68 = arith.constant 0 : i32
        %dma_wait3A_69 = arith.constant 0 : i32
        %dma_wait3A_70 = tpu.memref_slice %arg11[%dma_wait3A_68, %dma_wait3A_69] : memref<10240x128xf32, #tpu.memory_space<vmem_shared>> -> memref<10240x128xf32, #tpu.memory_space<vmem_shared>>
        tpu.wait_indirect_dma semaphore(%run_scoped3A : memref<!tpu.dma_semaphore, #tpu.memory_space<semaphore_mem>>) src(%arg9 : memref<128x128xf32, #tpu.memory_space<vmem>>) dst(%dma_wait3A_70 : memref<10240x128xf32, #tpu.memory_space<vmem_shared>>)
        tpu.yield
      }) : () -> ()
    }
    %barrier3A_44 = arith.constant 0 : index
    tpu.barrier barrier_id(%barrier3A_44)
    %add3A_45 = arith.constant 0 : i32
    %add3A_46 = arith.addi %mul3A_2, %add3A_45 : i32
    "tpu.region"() ({
      %run_scoped3A = tpu.sem_alloc : memref<!tpu.dma_semaphore, #tpu.memory_space<semaphore_mem>>
      %dma_start3A = arith.constant 0 : i32
      %dma_start3A_55 = tpu.memref_slice %arg11[%add3A_46, %dma_start3A] : memref<10240x128xf32, #tpu.memory_space<vmem_shared>> -> memref<128x128xf32, #tpu.memory_space<vmem_shared>>
      %dma_start3A_56 = arith.constant 0 : i32
      %dma_start3A_57 = tpu.memref_slice %arg11[%add3A_46, %dma_start3A_56] : memref<10240x128xf32, #tpu.memory_space<vmem_shared>> -> memref<128x128xf32, #tpu.memory_space<vmem_shared>>
      tpu.enqueue_dma source(%dma_start3A_57 : memref<128x128xf32, #tpu.memory_space<vmem_shared>>) target(%arg10 : memref<128x128xf32, #tpu.memory_space<vmem>>) target_semaphore(%run_scoped3A : memref<!tpu.dma_semaphore, #tpu.memory_space<semaphore_mem>>)
      %dma_wait3A = arith.constant 0 : i32
      %dma_wait3A_58 = tpu.memref_slice %arg11[%add3A_46, %dma_wait3A] : memref<10240x128xf32, #tpu.memory_space<vmem_shared>> -> memref<128x128xf32, #tpu.memory_space<vmem_shared>>
      %dma_wait3A_59 = arith.constant 0 : i32
      %dma_wait3A_60 = tpu.memref_slice %arg11[%add3A_46, %dma_wait3A_59] : memref<10240x128xf32, #tpu.memory_space<vmem_shared>> -> memref<128x128xf32, #tpu.memory_space<vmem_shared>>
      tpu.wait_dma2 semaphore(%run_scoped3A : memref<!tpu.dma_semaphore, #tpu.memory_space<semaphore_mem>>) src(%dma_wait3A_60 : memref<128x128xf32, #tpu.memory_space<vmem_shared>>) dst(%arg10 : memref<128x128xf32, #tpu.memory_space<vmem>>)
      tpu.yield
    }) : () -> ()
    "tpu.region"() ({
      %run_scoped3A = tpu.sem_alloc : memref<!tpu.dma_semaphore, #tpu.memory_space<semaphore_mem>>
      %dma_start3A = arith.constant 0 : i32
      %dma_start3A_55 = tpu.memref_slice %arg6[%arg0, %add3A_46, %dma_start3A] : memref<2x10240x128xf32, #tpu.memory_space<hbm>> -> memref<1x128x128xf32, #tpu.memory_space<hbm>>
      %dma_start3A_56 = tpu.memref_squeeze %dma_start3A_55 : memref<1x128x128xf32, #tpu.memory_space<hbm>> -> memref<128x128xf32, #tpu.memory_space<hbm>>
      %dma_start3A_57 = arith.constant 0 : i32
      %dma_start3A_58 = tpu.memref_slice %arg6[%arg0, %add3A_46, %dma_start3A_57] : memref<2x10240x128xf32, #tpu.memory_space<hbm>> -> memref<1x128x128xf32, #tpu.memory_space<hbm>>
      %dma_start3A_59 = tpu.memref_squeeze %dma_start3A_58 : memref<1x128x128xf32, #tpu.memory_space<hbm>> -> memref<128x128xf32, #tpu.memory_space<hbm>>
      tpu.enqueue_dma source(%arg10 : memref<128x128xf32, #tpu.memory_space<vmem>>) target(%dma_start3A_59 : memref<128x128xf32, #tpu.memory_space<hbm>>) target_semaphore(%run_scoped3A : memref<!tpu.dma_semaphore, #tpu.memory_space<semaphore_mem>>)
      %dma_wait3A = arith.constant 0 : i32
      %dma_wait3A_60 = tpu.memref_slice %arg6[%arg0, %add3A_46, %dma_wait3A] : memref<2x10240x128xf32, #tpu.memory_space<hbm>> -> memref<1x128x128xf32, #tpu.memory_space<hbm>>
      %dma_wait3A_61 = tpu.memref_squeeze %dma_wait3A_60 : memref<1x128x128xf32, #tpu.memory_space<hbm>> -> memref<128x128xf32, #tpu.memory_space<hbm>>
      %dma_wait3A_62 = arith.constant 0 : i32
      %dma_wait3A_63 = tpu.memref_slice %arg6[%arg0, %add3A_46, %dma_wait3A_62] : memref<2x10240x128xf32, #tpu.memory_space<hbm>> -> memref<1x128x128xf32, #tpu.memory_space<hbm>>
      %dma_wait3A_64 = tpu.memref_squeeze %dma_wait3A_63 : memref<1x128x128xf32, #tpu.memory_space<hbm>> -> memref<128x128xf32, #tpu.memory_space<hbm>>
      tpu.wait_dma2 semaphore(%run_scoped3A : memref<!tpu.dma_semaphore, #tpu.memory_space<semaphore_mem>>) src(%arg10 : memref<128x128xf32, #tpu.memory_space<vmem>>) dst(%dma_wait3A_64 : memref<128x128xf32, #tpu.memory_space<hbm>>)
      tpu.yield
    }) : () -> ()
    %add3A_47 = arith.constant 128 : i32
    %add3A_48 = arith.addi %mul3A_2, %add3A_47 : i32
    "tpu.region"() ({
      %run_scoped3A = tpu.sem_alloc : memref<!tpu.dma_semaphore, #tpu.memory_space<semaphore_mem>>
      %dma_start3A = arith.constant 0 : i32
      %dma_start3A_55 = tpu.memref_slice %arg11[%add3A_48, %dma_start3A] : memref<10240x128xf32, #tpu.memory_space<vmem_shared>> -> memref<128x128xf32, #tpu.memory_space<vmem_shared>>
      %dma_start3A_56 = arith.constant 0 : i32
      %dma_start3A_57 = tpu.memref_slice %arg11[%add3A_48, %dma_start3A_56] : memref<10240x128xf32, #tpu.memory_space<vmem_shared>> -> memref<128x128xf32, #tpu.memory_space<vmem_shared>>
      tpu.enqueue_dma source(%dma_start3A_57 : memref<128x128xf32, #tpu.memory_space<vmem_shared>>) target(%arg10 : memref<128x128xf32, #tpu.memory_space<vmem>>) target_semaphore(%run_scoped3A : memref<!tpu.dma_semaphore, #tpu.memory_space<semaphore_mem>>)
      %dma_wait3A = arith.constant 0 : i32
      %dma_wait3A_58 = tpu.memref_slice %arg11[%add3A_48, %dma_wait3A] : memref<10240x128xf32, #tpu.memory_space<vmem_shared>> -> memref<128x128xf32, #tpu.memory_space<vmem_shared>>
      %dma_wait3A_59 = arith.constant 0 : i32
      %dma_wait3A_60 = tpu.memref_slice %arg11[%add3A_48, %dma_wait3A_59] : memref<10240x128xf32, #tpu.memory_space<vmem_shared>> -> memref<128x128xf32, #tpu.memory_space<vmem_shared>>
      tpu.wait_dma2 semaphore(%run_scoped3A : memref<!tpu.dma_semaphore, #tpu.memory_space<semaphore_mem>>) src(%dma_wait3A_60 : memref<128x128xf32, #tpu.memory_space<vmem_shared>>) dst(%arg10 : memref<128x128xf32, #tpu.memory_space<vmem>>)
      tpu.yield
    }) : () -> ()
    "tpu.region"() ({
      %run_scoped3A = tpu.sem_alloc : memref<!tpu.dma_semaphore, #tpu.memory_space<semaphore_mem>>
      %dma_start3A = arith.constant 0 : i32
      %dma_start3A_55 = tpu.memref_slice %arg6[%arg0, %add3A_48, %dma_start3A] : memref<2x10240x128xf32, #tpu.memory_space<hbm>> -> memref<1x128x128xf32, #tpu.memory_space<hbm>>
      %dma_start3A_56 = tpu.memref_squeeze %dma_start3A_55 : memref<1x128x128xf32, #tpu.memory_space<hbm>> -> memref<128x128xf32, #tpu.memory_space<hbm>>
      %dma_start3A_57 = arith.constant 0 : i32
      %dma_start3A_58 = tpu.memref_slice %arg6[%arg0, %add3A_48, %dma_start3A_57] : memref<2x10240x128xf32, #tpu.memory_space<hbm>> -> memref<1x128x128xf32, #tpu.memory_space<hbm>>
      %dma_start3A_59 = tpu.memref_squeeze %dma_start3A_58 : memref<1x128x128xf32, #tpu.memory_space<hbm>> -> memref<128x128xf32, #tpu.memory_space<hbm>>
      tpu.enqueue_dma source(%arg10 : memref<128x128xf32, #tpu.memory_space<vmem>>) target(%dma_start3A_59 : memref<128x128xf32, #tpu.memory_space<hbm>>) target_semaphore(%run_scoped3A : memref<!tpu.dma_semaphore, #tpu.memory_space<semaphore_mem>>)
      %dma_wait3A = arith.constant 0 : i32
      %dma_wait3A_60 = tpu.memref_slice %arg6[%arg0, %add3A_48, %dma_wait3A] : memref<2x10240x128xf32, #tpu.memory_space<hbm>> -> memref<1x128x128xf32, #tpu.memory_space<hbm>>
      %dma_wait3A_61 = tpu.memref_squeeze %dma_wait3A_60 : memref<1x128x128xf32, #tpu.memory_space<hbm>> -> memref<128x128xf32, #tpu.memory_space<hbm>>
      %dma_wait3A_62 = arith.constant 0 : i32
      %dma_wait3A_63 = tpu.memref_slice %arg6[%arg0, %add3A_48, %dma_wait3A_62] : memref<2x10240x128xf32, #tpu.memory_space<hbm>> -> memref<1x128x128xf32, #tpu.memory_space<hbm>>
      %dma_wait3A_64 = tpu.memref_squeeze %dma_wait3A_63 : memref<1x128x128xf32, #tpu.memory_space<hbm>> -> memref<128x128xf32, #tpu.memory_space<hbm>>
      tpu.wait_dma2 semaphore(%run_scoped3A : memref<!tpu.dma_semaphore, #tpu.memory_space<semaphore_mem>>) src(%arg10 : memref<128x128xf32, #tpu.memory_space<vmem>>) dst(%dma_wait3A_64 : memref<128x128xf32, #tpu.memory_space<hbm>>)
      tpu.yield
    }) : () -> ()
    %add3A_49 = arith.constant 256 : i32
    %add3A_50 = arith.addi %mul3A_2, %add3A_49 : i32
    "tpu.region"() ({
      %run_scoped3A = tpu.sem_alloc : memref<!tpu.dma_semaphore, #tpu.memory_space<semaphore_mem>>
      %dma_start3A = arith.constant 0 : i32
      %dma_start3A_55 = tpu.memref_slice %arg11[%add3A_50, %dma_start3A] : memref<10240x128xf32, #tpu.memory_space<vmem_shared>> -> memref<128x128xf32, #tpu.memory_space<vmem_shared>>
      %dma_start3A_56 = arith.constant 0 : i32
      %dma_start3A_57 = tpu.memref_slice %arg11[%add3A_50, %dma_start3A_56] : memref<10240x128xf32, #tpu.memory_space<vmem_shared>> -> memref<128x128xf32, #tpu.memory_space<vmem_shared>>
      tpu.enqueue_dma source(%dma_start3A_57 : memref<128x128xf32, #tpu.memory_space<vmem_shared>>) target(%arg10 : memref<128x128xf32, #tpu.memory_space<vmem>>) target_semaphore(%run_scoped3A : memref<!tpu.dma_semaphore, #tpu.memory_space<semaphore_mem>>)
      %dma_wait3A = arith.constant 0 : i32
      %dma_wait3A_58 = tpu.memref_slice %arg11[%add3A_50, %dma_wait3A] : memref<10240x128xf32, #tpu.memory_space<vmem_shared>> -> memref<128x128xf32, #tpu.memory_space<vmem_shared>>
      %dma_wait3A_59 = arith.constant 0 : i32
      %dma_wait3A_60 = tpu.memref_slice %arg11[%add3A_50, %dma_wait3A_59] : memref<10240x128xf32, #tpu.memory_space<vmem_shared>> -> memref<128x128xf32, #tpu.memory_space<vmem_shared>>
      tpu.wait_dma2 semaphore(%run_scoped3A : memref<!tpu.dma_semaphore, #tpu.memory_space<semaphore_mem>>) src(%dma_wait3A_60 : memref<128x128xf32, #tpu.memory_space<vmem_shared>>) dst(%arg10 : memref<128x128xf32, #tpu.memory_space<vmem>>)
      tpu.yield
    }) : () -> ()
    "tpu.region"() ({
      %run_scoped3A = tpu.sem_alloc : memref<!tpu.dma_semaphore, #tpu.memory_space<semaphore_mem>>
      %dma_start3A = arith.constant 0 : i32
      %dma_start3A_55 = tpu.memref_slice %arg6[%arg0, %add3A_50, %dma_start3A] : memref<2x10240x128xf32, #tpu.memory_space<hbm>> -> memref<1x128x128xf32, #tpu.memory_space<hbm>>
      %dma_start3A_56 = tpu.memref_squeeze %dma_start3A_55 : memref<1x128x128xf32, #tpu.memory_space<hbm>> -> memref<128x128xf32, #tpu.memory_space<hbm>>
      %dma_start3A_57 = arith.constant 0 : i32
      %dma_start3A_58 = tpu.memref_slice %arg6[%arg0, %add3A_50, %dma_start3A_57] : memref<2x10240x128xf32, #tpu.memory_space<hbm>> -> memref<1x128x128xf32, #tpu.memory_space<hbm>>
      %dma_start3A_59 = tpu.memref_squeeze %dma_start3A_58 : memref<1x128x128xf32, #tpu.memory_space<hbm>> -> memref<128x128xf32, #tpu.memory_space<hbm>>
      tpu.enqueue_dma source(%arg10 : memref<128x128xf32, #tpu.memory_space<vmem>>) target(%dma_start3A_59 : memref<128x128xf32, #tpu.memory_space<hbm>>) target_semaphore(%run_scoped3A : memref<!tpu.dma_semaphore, #tpu.memory_space<semaphore_mem>>)
      %dma_wait3A = arith.constant 0 : i32
      %dma_wait3A_60 = tpu.memref_slice %arg6[%arg0, %add3A_50, %dma_wait3A] : memref<2x10240x128xf32, #tpu.memory_space<hbm>> -> memref<1x128x128xf32, #tpu.memory_space<hbm>>
      %dma_wait3A_61 = tpu.memref_squeeze %dma_wait3A_60 : memref<1x128x128xf32, #tpu.memory_space<hbm>> -> memref<128x128xf32, #tpu.memory_space<hbm>>
      %dma_wait3A_62 = arith.constant 0 : i32
      %dma_wait3A_63 = tpu.memref_slice %arg6[%arg0, %add3A_50, %dma_wait3A_62] : memref<2x10240x128xf32, #tpu.memory_space<hbm>> -> memref<1x128x128xf32, #tpu.memory_space<hbm>>
      %dma_wait3A_64 = tpu.memref_squeeze %dma_wait3A_63 : memref<1x128x128xf32, #tpu.memory_space<hbm>> -> memref<128x128xf32, #tpu.memory_space<hbm>>
      tpu.wait_dma2 semaphore(%run_scoped3A : memref<!tpu.dma_semaphore, #tpu.memory_space<semaphore_mem>>) src(%arg10 : memref<128x128xf32, #tpu.memory_space<vmem>>) dst(%dma_wait3A_64 : memref<128x128xf32, #tpu.memory_space<hbm>>)
      tpu.yield
    }) : () -> ()
    %add3A_51 = arith.constant 384 : i32
    %add3A_52 = arith.addi %mul3A_2, %add3A_51 : i32
    "tpu.region"() ({
      %run_scoped3A = tpu.sem_alloc : memref<!tpu.dma_semaphore, #tpu.memory_space<semaphore_mem>>
      %dma_start3A = arith.constant 0 : i32
      %dma_start3A_55 = tpu.memref_slice %arg11[%add3A_52, %dma_start3A] : memref<10240x128xf32, #tpu.memory_space<vmem_shared>> -> memref<128x128xf32, #tpu.memory_space<vmem_shared>>
      %dma_start3A_56 = arith.constant 0 : i32
      %dma_start3A_57 = tpu.memref_slice %arg11[%add3A_52, %dma_start3A_56] : memref<10240x128xf32, #tpu.memory_space<vmem_shared>> -> memref<128x128xf32, #tpu.memory_space<vmem_shared>>
      tpu.enqueue_dma source(%dma_start3A_57 : memref<128x128xf32, #tpu.memory_space<vmem_shared>>) target(%arg10 : memref<128x128xf32, #tpu.memory_space<vmem>>) target_semaphore(%run_scoped3A : memref<!tpu.dma_semaphore, #tpu.memory_space<semaphore_mem>>)
      %dma_wait3A = arith.constant 0 : i32
      %dma_wait3A_58 = tpu.memref_slice %arg11[%add3A_52, %dma_wait3A] : memref<10240x128xf32, #tpu.memory_space<vmem_shared>> -> memref<128x128xf32, #tpu.memory_space<vmem_shared>>
      %dma_wait3A_59 = arith.constant 0 : i32
      %dma_wait3A_60 = tpu.memref_slice %arg11[%add3A_52, %dma_wait3A_59] : memref<10240x128xf32, #tpu.memory_space<vmem_shared>> -> memref<128x128xf32, #tpu.memory_space<vmem_shared>>
      tpu.wait_dma2 semaphore(%run_scoped3A : memref<!tpu.dma_semaphore, #tpu.memory_space<semaphore_mem>>) src(%dma_wait3A_60 : memref<128x128xf32, #tpu.memory_space<vmem_shared>>) dst(%arg10 : memref<128x128xf32, #tpu.memory_space<vmem>>)
      tpu.yield
    }) : () -> ()
    "tpu.region"() ({
      %run_scoped3A = tpu.sem_alloc : memref<!tpu.dma_semaphore, #tpu.memory_space<semaphore_mem>>
      %dma_start3A = arith.constant 0 : i32
      %dma_start3A_55 = tpu.memref_slice %arg6[%arg0, %add3A_52, %dma_start3A] : memref<2x10240x128xf32, #tpu.memory_space<hbm>> -> memref<1x128x128xf32, #tpu.memory_space<hbm>>
      %dma_start3A_56 = tpu.memref_squeeze %dma_start3A_55 : memref<1x128x128xf32, #tpu.memory_space<hbm>> -> memref<128x128xf32, #tpu.memory_space<hbm>>
      %dma_start3A_57 = arith.constant 0 : i32
      %dma_start3A_58 = tpu.memref_slice %arg6[%arg0, %add3A_52, %dma_start3A_57] : memref<2x10240x128xf32, #tpu.memory_space<hbm>> -> memref<1x128x128xf32, #tpu.memory_space<hbm>>
      %dma_start3A_59 = tpu.memref_squeeze %dma_start3A_58 : memref<1x128x128xf32, #tpu.memory_space<hbm>> -> memref<128x128xf32, #tpu.memory_space<hbm>>
      tpu.enqueue_dma source(%arg10 : memref<128x128xf32, #tpu.memory_space<vmem>>) target(%dma_start3A_59 : memref<128x128xf32, #tpu.memory_space<hbm>>) target_semaphore(%run_scoped3A : memref<!tpu.dma_semaphore, #tpu.memory_space<semaphore_mem>>)
      %dma_wait3A = arith.constant 0 : i32
      %dma_wait3A_60 = tpu.memref_slice %arg6[%arg0, %add3A_52, %dma_wait3A] : memref<2x10240x128xf32, #tpu.memory_space<hbm>> -> memref<1x128x128xf32, #tpu.memory_space<hbm>>
      %dma_wait3A_61 = tpu.memref_squeeze %dma_wait3A_60 : memref<1x128x128xf32, #tpu.memory_space<hbm>> -> memref<128x128xf32, #tpu.memory_space<hbm>>
      %dma_wait3A_62 = arith.constant 0 : i32
      %dma_wait3A_63 = tpu.memref_slice %arg6[%arg0, %add3A_52, %dma_wait3A_62] : memref<2x10240x128xf32, #tpu.memory_space<hbm>> -> memref<1x128x128xf32, #tpu.memory_space<hbm>>
      %dma_wait3A_64 = tpu.memref_squeeze %dma_wait3A_63 : memref<1x128x128xf32, #tpu.memory_space<hbm>> -> memref<128x128xf32, #tpu.memory_space<hbm>>
      tpu.wait_dma2 semaphore(%run_scoped3A : memref<!tpu.dma_semaphore, #tpu.memory_space<semaphore_mem>>) src(%arg10 : memref<128x128xf32, #tpu.memory_space<vmem>>) dst(%dma_wait3A_64 : memref<128x128xf32, #tpu.memory_space<hbm>>)
      tpu.yield
    }) : () -> ()
    %add3A_53 = arith.constant 512 : i32
    %add3A_54 = arith.addi %mul3A_2, %add3A_53 : i32
    "tpu.region"() ({
      %run_scoped3A = tpu.sem_alloc : memref<!tpu.dma_semaphore, #tpu.memory_space<semaphore_mem>>
      %dma_start3A = arith.constant 0 : i32
      %dma_start3A_55 = tpu.memref_slice %arg11[%add3A_54, %dma_start3A] : memref<10240x128xf32, #tpu.memory_space<vmem_shared>> -> memref<128x128xf32, #tpu.memory_space<vmem_shared>>
      %dma_start3A_56 = arith.constant 0 : i32
      %dma_start3A_57 = tpu.memref_slice %arg11[%add3A_54, %dma_start3A_56] : memref<10240x128xf32, #tpu.memory_space<vmem_shared>> -> memref<128x128xf32, #tpu.memory_space<vmem_shared>>
      tpu.enqueue_dma source(%dma_start3A_57 : memref<128x128xf32, #tpu.memory_space<vmem_shared>>) target(%arg10 : memref<128x128xf32, #tpu.memory_space<vmem>>) target_semaphore(%run_scoped3A : memref<!tpu.dma_semaphore, #tpu.memory_space<semaphore_mem>>)
      %dma_wait3A = arith.constant 0 : i32
      %dma_wait3A_58 = tpu.memref_slice %arg11[%add3A_54, %dma_wait3A] : memref<10240x128xf32, #tpu.memory_space<vmem_shared>> -> memref<128x128xf32, #tpu.memory_space<vmem_shared>>
      %dma_wait3A_59 = arith.constant 0 : i32
      %dma_wait3A_60 = tpu.memref_slice %arg11[%add3A_54, %dma_wait3A_59] : memref<10240x128xf32, #tpu.memory_space<vmem_shared>> -> memref<128x128xf32, #tpu.memory_space<vmem_shared>>
      tpu.wait_dma2 semaphore(%run_scoped3A : memref<!tpu.dma_semaphore, #tpu.memory_space<semaphore_mem>>) src(%dma_wait3A_60 : memref<128x128xf32, #tpu.memory_space<vmem_shared>>) dst(%arg10 : memref<128x128xf32, #tpu.memory_space<vmem>>)
      tpu.yield
    }) : () -> ()
    "tpu.region"() ({
      %run_scoped3A = tpu.sem_alloc : memref<!tpu.dma_semaphore, #tpu.memory_space<semaphore_mem>>
      %dma_start3A = arith.constant 0 : i32
      %dma_start3A_55 = tpu.memref_slice %arg6[%arg0, %add3A_54, %dma_start3A] : memref<2x10240x128xf32, #tpu.memory_space<hbm>> -> memref<1x128x128xf32, #tpu.memory_space<hbm>>
      %dma_start3A_56 = tpu.memref_squeeze %dma_start3A_55 : memref<1x128x128xf32, #tpu.memory_space<hbm>> -> memref<128x128xf32, #tpu.memory_space<hbm>>
      %dma_start3A_57 = arith.constant 0 : i32
      %dma_start3A_58 = tpu.memref_slice %arg6[%arg0, %add3A_54, %dma_start3A_57] : memref<2x10240x128xf32, #tpu.memory_space<hbm>> -> memref<1x128x128xf32, #tpu.memory_space<hbm>>
      %dma_start3A_59 = tpu.memref_squeeze %dma_start3A_58 : memref<1x128x128xf32, #tpu.memory_space<hbm>> -> memref<128x128xf32, #tpu.memory_space<hbm>>
      tpu.enqueue_dma source(%arg10 : memref<128x128xf32, #tpu.memory_space<vmem>>) target(%dma_start3A_59 : memref<128x128xf32, #tpu.memory_space<hbm>>) target_semaphore(%run_scoped3A : memref<!tpu.dma_semaphore, #tpu.memory_space<semaphore_mem>>)
      %dma_wait3A = arith.constant 0 : i32
      %dma_wait3A_60 = tpu.memref_slice %arg6[%arg0, %add3A_54, %dma_wait3A] : memref<2x10240x128xf32, #tpu.memory_space<hbm>> -> memref<1x128x128xf32, #tpu.memory_space<hbm>>
      %dma_wait3A_61 = tpu.memref_squeeze %dma_wait3A_60 : memref<1x128x128xf32, #tpu.memory_space<hbm>> -> memref<128x128xf32, #tpu.memory_space<hbm>>
      %dma_wait3A_62 = arith.constant 0 : i32
      %dma_wait3A_63 = tpu.memref_slice %arg6[%arg0, %add3A_54, %dma_wait3A_62] : memref<2x10240x128xf32, #tpu.memory_space<hbm>> -> memref<1x128x128xf32, #tpu.memory_space<hbm>>
      %dma_wait3A_64 = tpu.memref_squeeze %dma_wait3A_63 : memref<1x128x128xf32, #tpu.memory_space<hbm>> -> memref<128x128xf32, #tpu.memory_space<hbm>>
      tpu.wait_dma2 semaphore(%run_scoped3A : memref<!tpu.dma_semaphore, #tpu.memory_space<semaphore_mem>>) src(%arg10 : memref<128x128xf32, #tpu.memory_space<vmem>>) dst(%dma_wait3A_64 : memref<128x128xf32, #tpu.memory_space<hbm>>)
      tpu.yield
    }) : () -> ()
    return
  }
}

module attributes {stable_mosaic.version = 14 : i64} {
  func.func @body(%arg0: i32, %arg1: memref<1000x128xf32, #tpu.memory_space<vmem>>, %arg2: memref<128x128xf32, #tpu.memory_space<vmem>>, %arg3: memref<1000x16xf32, #tpu.memory_space<vmem>>, %arg4: memref<1000x16xf32, #tpu.memory_space<vmem>>, %arg5: memref<1000x128xf32, #tpu.memory_space<vmem>>) attributes {dimension_semantics = [#tpu.dimension_semantics<arbitrary>], iteration_bounds = array<i64: 10>, scalar_prefetch = 0 : i64, scratch_operands = 0 : i64, tpu.core_type = #tpu.core_type<tc>, window_params = [{transform_indices = @transform_0, window_bounds = array<i64: 1000, 128>}, {pipeline_mode = #tpu.pipeline_mode<synchronous>, transform_indices = @transform_1, window_bounds = array<i64: 128, 128>}, {transform_indices = @transform_2, window_bounds = array<i64: 1000, 16>}, {transform_indices = @transform_3, window_bounds = array<i64: 1000, 16>}, {transform_indices = @transform_4, window_bounds = array<i64: 1000, 128>}]} {
    %get3A = arith.constant 0 : index
    %get3A_0 = arith.constant 0 : index
    %get3A_1 = vector.load %arg3[%get3A, %get3A_0] : memref<1000x16xf32, #tpu.memory_space<vmem>>, vector<1000x16xf32>
    %get3A_2 = arith.constant 0 : index
    %get3A_3 = arith.constant 0 : index
    %get3A_4 = vector.load %arg4[%get3A_2, %get3A_3] : memref<1000x16xf32, #tpu.memory_space<vmem>>, vector<1000x16xf32>
    %slice3A = vector.extract_strided_slice %get3A_1 {offsets = [0, 0], sizes = [1000, 1], strides = [1, 1]} : vector<1000x16xf32> to vector<1000x1xf32>
    %slice3A_5 = vector.extract_strided_slice %get3A_4 {offsets = [0, 0], sizes = [1000, 1], strides = [1, 1]} : vector<1000x16xf32> to vector<1000x1xf32>
    %add3A = arith.addf %slice3A, %slice3A_5 : vector<1000x1xf32>
    %add3A_6 = arith.constant 1.000000e+00 : f32
    %add3A_7 = vector.broadcast %add3A_6 : f32 to vector<1000x1xf32>
    %add3A_8 = arith.addf %add3A, %add3A_7 : vector<1000x1xf32>
    %rsqrt3A = math.rsqrt %add3A_8 : vector<1000x1xf32>
    %get3A_9 = arith.constant 0 : index
    %get3A_10 = arith.constant 0 : index
    %get3A_11 = vector.load %arg1[%get3A_9, %get3A_10] : memref<1000x128xf32, #tpu.memory_space<vmem>>, vector<1000x128xf32>
    %get3A_12 = arith.constant 0 : index
    %get3A_13 = arith.constant 0 : index
    %get3A_14 = vector.load %arg2[%get3A_12, %get3A_13] : memref<128x128xf32, #tpu.memory_space<vmem>>, vector<128x128xf32>
    %dot_general3A = arith.constant dense<0.000000e+00> : vector<1000x128xf32>
    %dot_general3A_15 = tpu.matmul %get3A_11, %get3A_14, %dot_general3A {dimension_numbers = #tpu.dot_dimension_numbers<[1], [0], [0], [1], [0, 0, 1, 1], [], []>, transpose_lhs_hint = false} : vector<1000x128xf32>, vector<128x128xf32>, vector<1000x128xf32> -> vector<1000x128xf32>
    %mul3A = vector.broadcast %rsqrt3A : vector<1000x1xf32> to vector<1000x128xf32>
    %mul3A_16 = arith.mulf %dot_general3A_15, %mul3A : vector<1000x128xf32>
    %swap3A = arith.constant 0 : index
    %swap3A_17 = arith.constant 0 : index
    %swap3A_18 = vector.load %arg5[%swap3A, %swap3A_17] : memref<1000x128xf32, #tpu.memory_space<vmem>>, vector<1000x128xf32>
    tpu.vector_store %arg5[%swap3A, %swap3A_17], %mul3A_16 {strides = array<i32>} : memref<1000x128xf32, #tpu.memory_space<vmem>>, vector<1000x128xf32>,
    return
  }
  func.func @transform_0(%arg0: i32) -> (i32, i32) {
    %c0_i32 = arith.constant 0 : i32
    %c0_i32_0 = arith.constant 0 : i32
    return %arg0, %c0_i32 : i32, i32
  }
  func.func @transform_1(%arg0: i32) -> (i32, i32) {
    %c0_i32 = arith.constant 0 : i32
    %c0_i32_0 = arith.constant 0 : i32
    %c0_i32_1 = arith.constant 0 : i32
    return %c0_i32, %c0_i32_0 : i32, i32
  }
  func.func @transform_2(%arg0: i32) -> (i32, i32) {
    %c0_i32 = arith.constant 0 : i32
    %c0_i32_0 = arith.constant 0 : i32
    return %arg0, %c0_i32 : i32, i32
  }
  func.func @transform_3(%arg0: i32) -> (i32, i32) {
    %c0_i32 = arith.constant 0 : i32
    %c0_i32_0 = arith.constant 0 : i32
    return %arg0, %c0_i32 : i32, i32
  }
  func.func @transform_4(%arg0: i32) -> (i32, i32) {
    %c0_i32 = arith.constant 0 : i32
    %c0_i32_0 = arith.constant 0 : i32
    return %arg0, %c0_i32 : i32, i32
  }
}

module attributes {stable_mosaic.version = 14 : i64} {
  func.func @body(%arg0: i32, %arg1: memref<1000x128xf32, #tpu.memory_space<vmem>>, %arg2: memref<1000x128xf32, #tpu.memory_space<vmem>>, %arg3: memref<1000x128xf32, #tpu.memory_space<vmem>>, %arg4: memref<1000x16xf32, #tpu.memory_space<vmem>>, %arg5: memref<1000x16xf32, #tpu.memory_space<vmem>>, %arg6: memref<128xf32, #tpu.memory_space<vmem>>, %arg7: memref<128x64xf32, #tpu.memory_space<vmem>>, %arg8: memref<1000x64xf32, #tpu.memory_space<vmem>>) attributes {dimension_semantics = [#tpu.dimension_semantics<arbitrary>], iteration_bounds = array<i64: 10>, scalar_prefetch = 0 : i64, scratch_operands = 0 : i64, tpu.core_type = #tpu.core_type<tc>, window_params = [{transform_indices = @transform_0, window_bounds = array<i64: 1000, 128>}, {transform_indices = @transform_1, window_bounds = array<i64: 1000, 128>}, {transform_indices = @transform_2, window_bounds = array<i64: 1000, 128>}, {transform_indices = @transform_3, window_bounds = array<i64: 1000, 16>}, {transform_indices = @transform_4, window_bounds = array<i64: 1000, 16>}, {pipeline_mode = #tpu.pipeline_mode<synchronous>, transform_indices = @transform_5, window_bounds = array<i64: 128>}, {pipeline_mode = #tpu.pipeline_mode<synchronous>, transform_indices = @transform_6, window_bounds = array<i64: 128, 64>}, {transform_indices = @transform_7, window_bounds = array<i64: 1000, 64>}]} {
    %get3A = arith.constant 0 : index
    %get3A_0 = arith.constant 0 : index
    %get3A_1 = vector.load %arg4[%get3A, %get3A_0] : memref<1000x16xf32, #tpu.memory_space<vmem>>, vector<1000x16xf32>
    %get3A_2 = arith.constant 0 : index
    %get3A_3 = arith.constant 0 : index
    %get3A_4 = vector.load %arg5[%get3A_2, %get3A_3] : memref<1000x16xf32, #tpu.memory_space<vmem>>, vector<1000x16xf32>
    %slice3A = vector.extract_strided_slice %get3A_1 {offsets = [0, 0], sizes = [1000, 1], strides = [1, 1]} : vector<1000x16xf32> to vector<1000x1xf32>
    %slice3A_5 = vector.extract_strided_slice %get3A_4 {offsets = [0, 0], sizes = [1000, 1], strides = [1, 1]} : vector<1000x16xf32> to vector<1000x1xf32>
    %add3A = arith.addf %slice3A, %slice3A_5 : vector<1000x1xf32>
    %add3A_6 = arith.constant 1.000000e+00 : f32
    %add3A_7 = vector.broadcast %add3A_6 : f32 to vector<1000x1xf32>
    %add3A_8 = arith.addf %add3A, %add3A_7 : vector<1000x1xf32>
    %rsqrt3A = math.rsqrt %add3A_8 : vector<1000x1xf32>
    %get3A_9 = arith.constant 0 : index
    %get3A_10 = arith.constant 0 : index
    %get3A_11 = vector.load %arg1[%get3A_9, %get3A_10] : memref<1000x128xf32, #tpu.memory_space<vmem>>, vector<1000x128xf32>
    %get3A_12 = arith.constant 0 : index
    %get3A_13 = arith.constant 0 : index
    %get3A_14 = vector.load %arg2[%get3A_12, %get3A_13] : memref<1000x128xf32, #tpu.memory_space<vmem>>, vector<1000x128xf32>
    %add3A_15 = arith.addf %get3A_11, %get3A_14 : vector<1000x128xf32>
    %get3A_16 = arith.constant 0 : index
    %get3A_17 = arith.constant 0 : index
    %get3A_18 = vector.load %arg3[%get3A_16, %get3A_17] : memref<1000x128xf32, #tpu.memory_space<vmem>>, vector<1000x128xf32>
    %add3A_19 = arith.addf %add3A_15, %get3A_18 : vector<1000x128xf32>
    %mul3A = vector.broadcast %rsqrt3A : vector<1000x1xf32> to vector<1000x128xf32>
    %mul3A_20 = arith.mulf %add3A_19, %mul3A : vector<1000x128xf32>
    %get3A_21 = arith.constant 0 : index
    %get3A_22 = vector.load %arg6[%get3A_21] : memref<128xf32, #tpu.memory_space<vmem>>, vector<128xf32>
    %broadcast_in_dim3A = vector.shape_cast %get3A_22 : vector<128xf32> to vector<1x128xf32>
    %add3A_23 = vector.broadcast %broadcast_in_dim3A : vector<1x128xf32> to vector<1000x128xf32>
    %add3A_24 = arith.addf %mul3A_20, %add3A_23 : vector<1000x128xf32>
    %max3A = arith.constant 0.000000e+00 : f32
    %max3A_25 = vector.broadcast %max3A : f32 to vector<1000x128xf32>
    %max3A_26 = arith.maximumf %add3A_24, %max3A_25 : vector<1000x128xf32>
    %get3A_27 = arith.constant 0 : index
    %get3A_28 = arith.constant 0 : index
    %get3A_29 = vector.load %arg7[%get3A_27, %get3A_28] : memref<128x64xf32, #tpu.memory_space<vmem>>, vector<128x64xf32>
    %dot_general3A = arith.constant dense<0.000000e+00> : vector<1000x64xf32>
    %dot_general3A_30 = tpu.matmul %max3A_26, %get3A_29, %dot_general3A {dimension_numbers = #tpu.dot_dimension_numbers<[1], [0], [0], [1], [0, 0, 1, 1], [], []>, transpose_lhs_hint = false} : vector<1000x128xf32>, vector<128x64xf32>, vector<1000x64xf32> -> vector<1000x64xf32>
    %mul3A_31 = vector.broadcast %rsqrt3A : vector<1000x1xf32> to vector<1000x64xf32>
    %mul3A_32 = arith.mulf %dot_general3A_30, %mul3A_31 : vector<1000x64xf32>
    %swap3A = arith.constant 0 : index
    %swap3A_33 = arith.constant 0 : index
    %swap3A_34 = vector.load %arg8[%swap3A, %swap3A_33] : memref<1000x64xf32, #tpu.memory_space<vmem>>, vector<1000x64xf32>
    tpu.vector_store %arg8[%swap3A, %swap3A_33], %mul3A_32 {strides = array<i32>} : memref<1000x64xf32, #tpu.memory_space<vmem>>, vector<1000x64xf32>,
    return
  }
  func.func @transform_0(%arg0: i32) -> (i32, i32) {
    %c0_i32 = arith.constant 0 : i32
    %c0_i32_0 = arith.constant 0 : i32
    return %arg0, %c0_i32 : i32, i32
  }
  func.func @transform_1(%arg0: i32) -> (i32, i32) {
    %c0_i32 = arith.constant 0 : i32
    %c0_i32_0 = arith.constant 0 : i32
    return %arg0, %c0_i32 : i32, i32
  }
  func.func @transform_2(%arg0: i32) -> (i32, i32) {
    %c0_i32 = arith.constant 0 : i32
    %c0_i32_0 = arith.constant 0 : i32
    return %arg0, %c0_i32 : i32, i32
  }
  func.func @transform_3(%arg0: i32) -> (i32, i32) {
    %c0_i32 = arith.constant 0 : i32
    %c0_i32_0 = arith.constant 0 : i32
    return %arg0, %c0_i32 : i32, i32
  }
  func.func @transform_4(%arg0: i32) -> (i32, i32) {
    %c0_i32 = arith.constant 0 : i32
    %c0_i32_0 = arith.constant 0 : i32
    return %arg0, %c0_i32 : i32, i32
  }
  func.func @transform_5(%arg0: i32) -> i32 {
    %c0_i32 = arith.constant 0 : i32
    %c0_i32_0 = arith.constant 0 : i32
    return %c0_i32 : i32
  }
  func.func @transform_6(%arg0: i32) -> (i32, i32) {
    %c0_i32 = arith.constant 0 : i32
    %c0_i32_0 = arith.constant 0 : i32
    %c0_i32_1 = arith.constant 0 : i32
    return %c0_i32, %c0_i32_0 : i32, i32
  }
  func.func @transform_7(%arg0: i32) -> (i32, i32) {
    %c0_i32 = arith.constant 0 : i32
    %c0_i32_0 = arith.constant 0 : i32
    return %arg0, %c0_i32 : i32, i32
  }
}

module attributes {stable_mosaic.version = 14 : i64} {
  func.func @body(%arg0: i32, %arg1: memref<1000x64xf32, #tpu.memory_space<vmem>>, %arg2: memref<1000x64xf32, #tpu.memory_space<vmem>>, %arg3: memref<1000x64xf32, #tpu.memory_space<vmem>>, %arg4: memref<1000x16xf32, #tpu.memory_space<vmem>>, %arg5: memref<1000x16xf32, #tpu.memory_space<vmem>>, %arg6: memref<64xf32, #tpu.memory_space<vmem>>, %arg7: memref<1000x64xf32, #tpu.memory_space<vmem>>) attributes {dimension_semantics = [#tpu.dimension_semantics<arbitrary>], iteration_bounds = array<i64: 10>, scalar_prefetch = 0 : i64, scratch_operands = 0 : i64, tpu.core_type = #tpu.core_type<tc>, window_params = [{transform_indices = @transform_0, window_bounds = array<i64: 1000, 64>}, {transform_indices = @transform_1, window_bounds = array<i64: 1000, 64>}, {transform_indices = @transform_2, window_bounds = array<i64: 1000, 64>}, {transform_indices = @transform_3, window_bounds = array<i64: 1000, 16>}, {transform_indices = @transform_4, window_bounds = array<i64: 1000, 16>}, {pipeline_mode = #tpu.pipeline_mode<synchronous>, transform_indices = @transform_5, window_bounds = array<i64: 64>}, {transform_indices = @transform_6, window_bounds = array<i64: 1000, 64>}]} {
    %get3A = arith.constant 0 : index
    %get3A_0 = arith.constant 0 : index
    %get3A_1 = vector.load %arg4[%get3A, %get3A_0] : memref<1000x16xf32, #tpu.memory_space<vmem>>, vector<1000x16xf32>
    %get3A_2 = arith.constant 0 : index
    %get3A_3 = arith.constant 0 : index
    %get3A_4 = vector.load %arg5[%get3A_2, %get3A_3] : memref<1000x16xf32, #tpu.memory_space<vmem>>, vector<1000x16xf32>
    %slice3A = vector.extract_strided_slice %get3A_1 {offsets = [0, 0], sizes = [1000, 1], strides = [1, 1]} : vector<1000x16xf32> to vector<1000x1xf32>
    %slice3A_5 = vector.extract_strided_slice %get3A_4 {offsets = [0, 0], sizes = [1000, 1], strides = [1, 1]} : vector<1000x16xf32> to vector<1000x1xf32>
    %add3A = arith.addf %slice3A, %slice3A_5 : vector<1000x1xf32>
    %add3A_6 = arith.constant 1.000000e+00 : f32
    %add3A_7 = vector.broadcast %add3A_6 : f32 to vector<1000x1xf32>
    %add3A_8 = arith.addf %add3A, %add3A_7 : vector<1000x1xf32>
    %rsqrt3A = math.rsqrt %add3A_8 : vector<1000x1xf32>
    %get3A_9 = arith.constant 0 : index
    %get3A_10 = arith.constant 0 : index
    %get3A_11 = vector.load %arg1[%get3A_9, %get3A_10] : memref<1000x64xf32, #tpu.memory_space<vmem>>, vector<1000x64xf32>
    %get3A_12 = arith.constant 0 : index
    %get3A_13 = arith.constant 0 : index
    %get3A_14 = vector.load %arg2[%get3A_12, %get3A_13] : memref<1000x64xf32, #tpu.memory_space<vmem>>, vector<1000x64xf32>
    %add3A_15 = arith.addf %get3A_11, %get3A_14 : vector<1000x64xf32>
    %get3A_16 = arith.constant 0 : index
    %get3A_17 = arith.constant 0 : index
    %get3A_18 = vector.load %arg3[%get3A_16, %get3A_17] : memref<1000x64xf32, #tpu.memory_space<vmem>>, vector<1000x64xf32>
    %add3A_19 = arith.addf %add3A_15, %get3A_18 : vector<1000x64xf32>
    %mul3A = vector.broadcast %rsqrt3A : vector<1000x1xf32> to vector<1000x64xf32>
    %mul3A_20 = arith.mulf %add3A_19, %mul3A : vector<1000x64xf32>
    %get3A_21 = arith.constant 0 : index
    %get3A_22 = vector.load %arg6[%get3A_21] : memref<64xf32, #tpu.memory_space<vmem>>, vector<64xf32>
    %broadcast_in_dim3A = vector.shape_cast %get3A_22 : vector<64xf32> to vector<1x64xf32>
    %add3A_23 = vector.broadcast %broadcast_in_dim3A : vector<1x64xf32> to vector<1000x64xf32>
    %add3A_24 = arith.addf %mul3A_20, %add3A_23 : vector<1000x64xf32>
    %swap3A = arith.constant 0 : index
    %swap3A_25 = arith.constant 0 : index
    %swap3A_26 = vector.load %arg7[%swap3A, %swap3A_25] : memref<1000x64xf32, #tpu.memory_space<vmem>>, vector<1000x64xf32>
    tpu.vector_store %arg7[%swap3A, %swap3A_25], %add3A_24 {strides = array<i32>} : memref<1000x64xf32, #tpu.memory_space<vmem>>, vector<1000x64xf32>,
    return
  }
  func.func @transform_0(%arg0: i32) -> (i32, i32) {
    %c0_i32 = arith.constant 0 : i32
    %c0_i32_0 = arith.constant 0 : i32
    return %arg0, %c0_i32 : i32, i32
  }
  func.func @transform_1(%arg0: i32) -> (i32, i32) {
    %c0_i32 = arith.constant 0 : i32
    %c0_i32_0 = arith.constant 0 : i32
    return %arg0, %c0_i32 : i32, i32
  }
  func.func @transform_2(%arg0: i32) -> (i32, i32) {
    %c0_i32 = arith.constant 0 : i32
    %c0_i32_0 = arith.constant 0 : i32
    return %arg0, %c0_i32 : i32, i32
  }
  func.func @transform_3(%arg0: i32) -> (i32, i32) {
    %c0_i32 = arith.constant 0 : i32
    %c0_i32_0 = arith.constant 0 : i32
    return %arg0, %c0_i32 : i32, i32
  }
  func.func @transform_4(%arg0: i32) -> (i32, i32) {
    %c0_i32 = arith.constant 0 : i32
    %c0_i32_0 = arith.constant 0 : i32
    return %arg0, %c0_i32 : i32, i32
  }
  func.func @transform_5(%arg0: i32) -> i32 {
    %c0_i32 = arith.constant 0 : i32
    %c0_i32_0 = arith.constant 0 : i32
    return %c0_i32 : i32
  }
  func.func @transform_6(%arg0: i32) -> (i32, i32) {
    %c0_i32 = arith.constant 0 : i32
    %c0_i32_0 = arith.constant 0 : i32
    return %arg0, %c0_i32 : i32, i32
  }
}

</mosaic_0001>

<sc_bundles>
// kernel: kernel.11.cloned.1.call-start
scs
__scs_entry_jumppad:
0x0: {  	(pc) =	sbr.rel $0x88, $3  }
0x1: {  	(tag) =	ssettag $0x0;
	lr =	simm.s32 $0x1  }
0x2: {  	[smem:$0x3F9B] =	sst lr;
	_ =	strace $0xD0000000  }
0x3: {  	_ = 	snop  }
0x4: {  	_ = 	snop  }
0x5: {  	_ = 	snop  }
0x6: {  	_ = 	snop  }
0x7: {  	_ = 	snop  }
__scs_overlays_trampoline_lowered:
0x8: {  	[smem:$0x3FAA] =	sst s0  }
0x9: {  	[smem:$0x3FAB] =	sst s1  }
0xa: {  	[smem:$0x3FAC] =	sst s2  }
0xb: {  	[smem:$0x3FAD] =	sst s3  }
0xc: {  	[smem:$0x3FAE] =	sst s4  }
0xd: {  	[smem:$0x3FAF] =	sst s5  }
0xe: {  	[smem:$0x3FB0] =	sst s6  }
0xf: {  	[smem:$0x3FB1] =	sst s7  }
0x10: {  	[smem:$0x3FB2] =	sst s8  }
0x11: {  	[smem:$0x3FB3] =	sst s9;
	s0 =	simm.s32 @!p0 $0x0  }
0x12: {  	s1 =	sld [smem:$0x3F99];
	s0 =	simm.s32 @p0 $0x1  }
0x13: {  	[smem:$0x3FB4] =	sst s0;
	s0 =	simm.s32 @!p1 $0x0  }
0x14: {  	s2 =	sld [smem:$0x3F98];
	s0 =	simm.s32 @p1 $0x1  }
0x15: {  	[smem:$0x3FB5] =	sst s0;
	s0 =	simm.s32 @!p2 $0x0  }
0x16: {  	s3 =	sld [smem:$0x3FDB];
	s0 =	simm.s32 @p2 $0x1  }
0x17: {  	s4 =	simm.s32 $0x1BF5;
	[smem:$0x3FB7] =	sst s0  }
0x18: {  	s0 =	sld [smem:$0x3F9A];
	_ =	swait.ge [sflag:s4], $0x0  }
0x19: {  	s7 =	sld [smem:$0x3F9B]  }
0x1a: {  	s8 =	sadd.s32 $0xFFFFE003, lr  }
0x1b: {  	s9 =	sadd.s32 $0xFFFFFEF7, lr;
	s5 =	simm.s32 $0xFFFFFFFF;
	p2 =	slt.u32 s8, $0xFFFFF086  }
0x1c: {  	p1 =	slt.u32 s9, $0xF7A;
	s5 =	simm.s32 @!p2 $0x0  }
0x1d: {  	s5 =	simm.s32 @p1 $0x1;
	p0 =	seq.s32 s7, s2  }
0x1e: {  	s7 =	smul.u32 @!p0 $0xF7A, s2;
	p2 =	seq.s32 @!p0 s5, $0x0  }
0x1f: {  	s9 =	smul.u32 $0xF7A, s1;
	s8 =	simm.s32 @!p0 $0x1BF5;
	p2 =	por !p2, p0  }
0x20: {  	[sflag:s8] =	ssyncset.s32 @!p0 $0xFFFFF086;
	s6 =	sadd.s32 @!p0 s3, s7;
	s7 =	simm.s32 @!p0 $0x108  }
0x21: {  	s3 =	sadd.s32 s3, s9;
	s6 =	sadd.s32 @!p0 $0x88, s6;
	s7 =	simm.s32 @p2 $0x1082  }
0x22: {  	[simem:s7], [sflag:s8] =	dma.local @!p0 [hbm:s6], $0xF7A  }
0x23: {  	s9 =	sor.u32 $0xD0000000, s2;
	s6 =	simm.s32 $0x108;
	_ =	swait.ge @!p0 [sflag:s8], $0x0  }
0x24: {  	s3 =	sadd.s32 $0x88, s3;
	s6 =	simm.s32 @!p1 $0x1082;
	[sflag:s4] =	ssyncset.s32 $0xFFFFF086  }
0x25: {  	[simem:s6], [sflag:s4] =	dma.local [hbm:s3], $0xF7A  }
0x26: {  	[smem:$0x3F9B] =	sst s1;
	(tag) =	ssettag s2;
	_ =	strace s9  }
0x27: {  	s1 =	sld [smem:$0x3FAB]  }
0x28: {  	s2 =	sld [smem:$0x3FAC]  }
0x29: {  	s4 =	sld [smem:$0x3FAE]  }
0x2a: {  	p0 =	seq.s32 s5, $0x0;
	s5 =	sld [smem:$0x3FAF]  }
0x2b: {  	s6 =	sld [smem:$0x3FB0]  }
0x2c: {  	s7 =	sld [smem:$0x3FB1]  }
0x2d: {  	s3 =	simm.s32 $0x108;
	s8 =	sld [smem:$0x3FB2]  }
0x2e: {  	s3 =	simm.s32 @!p0 $0x1082;
	s9 =	sld [smem:$0x3FB3]  }
0x2f: {  	lr =	sadd.s32 s0, s3;
	s0 =	sld [smem:$0x3FAA]  }
0x30: {  	s3 =	sld [smem:$0x3FAD]  }
0x31: {  	[smem:$0x3FB6] =	sst s10  }
0x32: {  	s10 =	sld [smem:$0x3FB4];
	_ =	sdelay $0x3  }
0x33: {  	p0 =	seq.s32 s10, $0x1;
	s10 =	sld [smem:$0x3FB6];
	_ =	sdelay $0x3  }
0x34: {  	[smem:$0x3FB6] =	sst s10  }
0x35: {  	s10 =	sld [smem:$0x3FB5];
	_ =	sdelay $0x3  }
0x36: {  	p1 =	seq.s32 s10, $0x1;
	s10 =	sld [smem:$0x3FB6];
	_ =	sdelay $0x3  }
0x37: {  	[smem:$0x3FB6] =	sst s10  }
0x38: {  	s10 =	sld [smem:$0x3FB7]  }
0x39: {  	_ = 	snop;
	(pc) =	sbr.ind lr, $3  }
0x3a: {  	_ = 	snop  }
0x3b: {  	_ = 	snop  }
0x3c: {  	p2 =	seq.s32 s10, $0x1;
	s10 =	sld [smem:$0x3FB6]  }
0x3d: {  	_ =	shalt  }
0x3e: {  	_ =	shalt  }
0x3f: {  	_ =	shalt  }
0x40: {  	_ =	shalt  }
0x41: {  	_ =	shalt  }
0x42: {  	_ =	shalt  }
0x43: {  	_ =	shalt  }
0x44: {  	_ =	shalt  }
0x45: {  	_ =	shalt  }
0x46: {  	_ =	shalt  }
0x47: {  	_ =	shalt  }
0x48: {  	_ =	shalt  }
0x49: {  	_ =	shalt  }
0x4a: {  	_ =	shalt  }
0x4b: {  	_ =	shalt  }
0x4c: {  	_ =	shalt  }
0x4d: {  	_ =	shalt  }
0x4e: {  	_ =	shalt  }
0x4f: {  	_ =	shalt  }
0x50: {  	_ =	shalt  }
0x51: {  	_ =	shalt  }
0x52: {  	_ =	shalt  }
0x53: {  	_ =	shalt  }
0x54: {  	_ =	shalt  }
0x55: {  	_ =	shalt  }
0x56: {  	_ =	shalt  }
0x57: {  	_ =	shalt  }
0x58: {  	_ =	shalt  }
0x59: {  	_ =	shalt  }
0x5a: {  	_ =	shalt  }
0x5b: {  	_ =	shalt  }
0x5c: {  	_ =	shalt  }
0x5d: {  	_ =	shalt  }
0x5e: {  	_ =	shalt  }
0x5f: {  	_ =	shalt  }
0x60: {  	_ =	shalt  }
0x61: {  	_ =	shalt  }
0x62: {  	_ =	shalt  }
0x63: {  	_ =	shalt  }
0x64: {  	_ =	shalt  }
0x65: {  	_ =	shalt  }
0x66: {  	_ =	shalt  }
0x67: {  	_ =	shalt  }
0x68: {  	_ =	shalt  }
0x69: {  	_ =	shalt  }
0x6a: {  	_ =	shalt  }
0x6b: {  	_ =	shalt  }
0x6c: {  	_ =	shalt  }
0x6d: {  	_ =	shalt  }
0x6e: {  	_ =	shalt  }
0x6f: {  	_ =	shalt  }
0x70: {  	_ =	shalt  }
0x71: {  	_ =	shalt  }
0x72: {  	_ =	shalt  }
0x73: {  	_ =	shalt  }
0x74: {  	_ =	shalt  }
0x75: {  	_ =	shalt  }
0x76: {  	_ =	shalt  }
0x77: {  	_ =	shalt  }
0x78: {  	_ =	shalt  }
0x79: {  	_ =	shalt  }
0x7a: {  	_ =	shalt  }
0x7b: {  	_ =	shalt  }
0x7c: {  	_ =	shalt  }
0x7d: {  	_ =	shalt  }
0x7e: {  	_ =	shalt  }
0x7f: {  	_ =	shalt  }
0x80: {  	_ =	shalt  }
0x81: {  	_ =	shalt  }
0x82: {  	_ =	shalt  }
0x83: {  	_ =	shalt  }
0x84: {  	_ =	shalt  }
0x85: {  	_ =	shalt  }
0x86: {  	_ =	shalt  }
0x87: {  	_ =	shalt  }
.Lfunc_end0:
.L_simem_size_0:
called_computation.1_lowered:
.L_overlay_start_0:
0x88: {  	s2 =	sld [smem:$0x3FD9]  }
0x89: {  	s3 =	sld [smem:$0x3FFE];
	_ =	sdelay $0x1  }
0x8a: {  	s1 =	srdreg.scid  }
0x8b: {  	s0 =	sand.u32 $0x1, s1  }
0x8c: {  	s17 =	sshll.u32 s0, $0xA;
	s2 =	sadd.s32 s3, s2  }
0x8d: {  	s2 =	sadd.s32 s2, s17  }
0x8e: {  	[smem:$0x3FC2] =	sst s2  }
0x8f: {  	_ = 	snop  }
0x90: {  	s2 =	sld [smem:$0x3FD0];
	(tm) =	ssettm $0x1  }
0x91: {  	s18 =	sld [smem:$0x3FFB];
	_ =	sdelay $0x3  }
0x92: {  	_ =	strace s18  }
0x93: {  	s3 =	sld [smem:$0x3FFC];
	_ =	sdelay $0x3  }
0x94: {  	_ =	strace s3  }
0x95: {  	s3 =	sld [smem:$0x3FFD];
	_ =	sdelay $0x3  }
0x96: {  	_ =	strace s3  }
0x97: {  	_ =	strace $0x8FFFFFFF  }
0x98: {  	s19 =	sld [smem:$0x3FDB];
	_ =	sdelay $0x1  }
0x99: {  	s4 =	simm.s32 $_scs_section_size  }
0x9a: {  	s5 =	simm.s32 $_size__tile_overlayer_lowered;
	s6 =	simm.s32 $_tile_overlayer_lowered  }
0x9b: {  	s22 =	simm.s32 $0x1BFF;
	s21 =	sshll.u32 s6, $0x1;
	s3 =	sadd.s32 s4, s19  }
0x9c: {  	s7 =	simm.s32 $0x0;
	s20 =	sshll.u32 s5, $0x1;
	s5 =	sadd.s32 s21, s3  }
0x9d: {  	[timem:s7], [sflag:s22] =	dma.local [hbm:s5], s20  }
0x9e: {  	_ =	swait.ge [sflag:s22], s20  }
0x9f: {  	s4 =	ssub.s32 $0x0, s20;
	[sflag:s22] =	ssyncset.done $0x0  }
0xa0: {  	[sflag:s22] =	ssyncadd.s32 s4;
	_ =	sdelay $0x1  }
0xa1: {  	s23 =	simm.s32 $0x1B8B  }
0xa2: {  	_ =	swait.ge [sflag:s23], $0x1  }
0xa3: {  	[sflag:s23] =	ssyncset.done $0x0  }
0xa4: {  	s25 =	simm.s32 $0x1B8E;
	s24 =	sld [smem:$0x3FFE];
	[sflag:s23] =	ssyncadd.s32 $0xFFFFFFFF  }
0xa5: {  	s26 =	simm.s32 $execute0_lowered;
	[smem:$0x3FD2] =	sst s25  }
0xa6: {  	s5 =	sshll.u32 s26, $0x1;
	_ =	strace $0x80000049;
	[dreg:$0x1] =	wrdreg $0xFFFFFFFF  }
0xa7: {  	s28 =	simm.s32 $_size_execute0_lowered;
	s3 =	sadd.s32 s3, s5;
	[dreg:$0x0] =	wrdreg $0x0  }
0xa8: {  	s5 =	sshll.u32 s28, $0x1;
	[dreg:$0x2] =	wrdreg s3  }
0xa9: {  	[dreg:$0x3] =	wrdreg s5  }
0xaa: {  	[dreg:$0x4] =	wrdreg $0xC0  }
0xab: {  	_ =	task [dreg:s7], $0x5FFFF  }
0xac: {  	[dreg:$0x1] =	wrdreg $0xFFFFFFFF  }
0xad: {  	[dreg:$0x0] =	wrdreg $0x60  }
0xae: {  	[dreg:$0x2] =	wrdreg s24  }
0xaf: {  	[dreg:$0x3] =	wrdreg s2  }
0xb0: {  	[dreg:$0x4] =	wrdreg $0x81000  }
0xb1: {  	[dreg:$0x5] =	wrdreg $0x9  }
0xb2: {  	_ =	task.clear_ibuf [dreg:s7], $0x6FFFF;
	_ =	strace $0x90000049  }
0xb3: {  	s29 =	simm.s32 $0x9;
	_ =	strace $0x8000004B  }
0xb4: {  	_ =	swait.ge [sflag:s29], $0x1  }
0xb5: {  	[sflag:s29] =	ssyncadd.s32 $0xFFFFFFFF  }
0xb6: {  	_ =	strace $0x9000004B  }
0xb7: {  	_ =	sfence  }
0xb8: {  	s30 =	sld [smem:$0x0];
	_ =	sdelay $0x2  }
0xb9: {  	s31 =	sshll.u32 s1, $0xD;
	s1 =	sshrl.u32 s1, $0x2  }
0xba: {  	s3 =	sand.u32 $0x4000, s31;
	s1 =	sadd.s32 s1, s30  }
0xbb: {  	s0 =	sor.u32 s3, s0;
	s1 =	sshll.u32 s1, $0x11  }
0xbc: {  	s0 =	sor.u32 s1, s0  }
0xbd: {  	s0 =	sadd.s32 $0x8F2B, s0  }
0xbe: {  	[sflag:s0] =	ssyncadd.remote.s32 $0x1  }
0xbf: {  	_ =	sfence.sel $0xFFFF  }
0xc0: {  	[dreg:$0x0] =	wrdreg $0xFFFFFFFF;
	(pc) =	sbr.abs _section_cstart, $3  }
0xc1: {  	[dreg:$0x1] =	wrdreg $0xFFFFFFFF  }
0xc2: {  	_ =	task.clear_ibuf [dreg:s7], $0x2FFFF;
	_ =	strace $0x9FFFFFFF  }
0xc3: {  	(tm) =	ssettm $0x7FFFFFFF  }
tec
execute0_lowered:
.L_overlay_start_1:
0x0: {  	(tag) =	ssettag $0x1  }
0x1: {  	s8 =	rddreg [dreg:$0x0]  }
0x2: {  	s1 =	rddreg [dreg:$0x1]  }
0x3: {  	s2 =	rddreg [dreg:$0x2]  }
0x4: {  	s0 =	rddreg [dreg:$0x3];
	s3 =	simm.s32 $0x0;
	s4 =	srdreg.scid  }
0x5: {  	s24 =	simm.s32 $0x100;
	s25 =	simm.s32 $0x1;
	s26 =	simm.s32 $0x0  }
0x6: {  	[smem:$0x7FF] =	sst s3;
	s18 =	sand.u32 $0x1, s4;
	s5 =	sadd.s32 $0x64200, s8  }
0x7: {  	s4 =	stileid.u32;
	s6 =	sadd.s32 $0x2200, s8;
	s7 =	sadd.s32 $0xC000, s8  }
0x8: {  	s17 =	sadd.s32 $0x8B400, s8;
	_ =	strace $0x8000004A;
	s12 =	smul.u32 $0x14000, s4  }
0x9: {  	s9 =	ssub.s32 $0x2, s18;
	s20 =	sshll.u32 s4, $0x1;
	s21 =	smul.u32 $0x140000, s18  }
0xa: {  	s30 =	sshll.u32 s4, $0x8;
	s31 =	sshll.u32 s18, $0x7;
	s10 =	sshrl.u32 s9, $0x1  }
0xb: {  	s20 =	sor.u32 s20, s18;
	s19 =	ssub.s32 s9, s10;
	s8 =	sadd.s32 s12, s2  }
0xc: {  	s13 =	sadd.s32 $0x4000, s12;
	s15 =	sadd.s32 $0x8000, s12;
	s16 =	sadd.s32 $0xC000, s12  }
0xd: {  	s22 =	sadd.s32 $0x10000, s12;
	s14 =	sadd.s32 s12, s21;
	s20 =	ssub.s32 $0x9E3, s20  }
0xe: {  	s9 =	sadd.s32 s13, s2;
	s10 =	sadd.s32 s15, s2;
	s11 =	sadd.s32 s16, s2  }
0xf: {  	s13 =	sadd.s32 s21, s13;
	s12 =	sadd.s32 s22, s2;
	s14 =	sshrl.u32 s14, $0x3  }
0x10: {  	s15 =	sadd.s32 s21, s15;
	s16 =	sadd.s32 s21, s16;
	s21 =	sadd.s32 s21, s22  }
0x11: {  	s18 =	smax.u32 s19, $0x1;
	s19 =	sshrl.u32 s20, $0x5;
	s20 =	sor.u32 s31, s30  }
0x12: {  	s22 =	simm.s32 $0x2;
	s23 =	sshrl.u32 s13, $0x3;
	s13 =	sadd.s32 s17, s14  }
0x13: {  	s15 =	sshrl.u32 s15, $0x3;
	s16 =	sshrl.u32 s16, $0x3;
	s21 =	sshrl.u32 s21, $0x3  }
0x14: {  	s14 =	sadd.s32 s17, s23;
	s15 =	sadd.s32 s17, s15;
	s16 =	sadd.s32 s17, s16  }
0x15: {  	s17 =	sadd.s32 s17, s21;
	s21 =	simm.s32 $0x4100;
	s23 =	simm.s32 $0x80  }
.LBB2_1:
0x16: {  	[tilespmem:s21], [sflag:$0x2] =	stream.linear.gather [hbm4b:s1+s3], $0x4000, $0x38;
	[tilespmem:$0x1C100] =	vst v63  }
0x17: {  	_ =	swait.ge [sflag:s22], $0x4000  }
0x18: {  	[sflag:s22] =	ssyncset.done $0x0  }
0x19: {  	[sflag:s22] =	ssyncadd.s32 $0xFFFFC000  }
0x1a: {  	[spmem:s8] =	stream.linear.scatter [tilespmem:s21], [sflag:$0x2], $0x4000, $0x38;
	[tilespmem:$0x1C100] =	vst v63  }
0x1b: {  	_ =	swait.ge [sflag:s22], $0x4000  }
0x1c: {  	[sflag:s22] =	ssyncset.done $0x0  }
0x1d: {  	[sflag:s22] =	ssyncadd.s32 $0xFFFFC000  }
0x1e: {  	[spmem:s9] =	stream.linear.scatter [tilespmem:s21], [sflag:$0x2], $0x4000, $0x38;
	[tilespmem:$0x1C100] =	vst v63  }
0x1f: {  	_ =	swait.ge [sflag:s22], $0x4000  }
0x20: {  	[sflag:s22] =	ssyncset.done $0x0  }
0x21: {  	[sflag:s22] =	ssyncadd.s32 $0xFFFFC000  }
0x22: {  	[spmem:s10] =	stream.linear.scatter [tilespmem:s21], [sflag:$0x2], $0x4000, $0x38;
	[tilespmem:$0x1C100] =	vst v63  }
0x23: {  	_ =	swait.ge [sflag:s22], $0x4000  }
0x24: {  	[sflag:s22] =	ssyncset.done $0x0  }
0x25: {  	[sflag:s22] =	ssyncadd.s32 $0xFFFFC000  }
0x26: {  	[spmem:s11] =	stream.linear.scatter [tilespmem:s21], [sflag:$0x2], $0x4000, $0x38;
	[tilespmem:$0x1C100] =	vst v63  }
0x27: {  	_ =	swait.ge [sflag:s22], $0x4000  }
0x28: {  	[sflag:s22] =	ssyncset.done $0x0  }
0x29: {  	p1 =	sne.s32 s19, $0x1;
	[sflag:s22] =	ssyncadd.s32 $0xFFFFC000  }
0x2a: {  	[spmem:s12] =	stream.linear.scatter [tilespmem:s21], [sflag:$0x2], $0x4000, $0x38;
	[tilespmem:$0x1C100] =	vst v63  }
.Ltmp0:
0x2b: {  	_ =	swait.ge [sflag:s22], $0x4000;
	(pc) =	sbr.rel @!p1 .LBB2_4-.Ltmp0, $4  }
0x2c: {  	[sflag:s22] =	ssyncset.done $0x0  }
0x2d: {  	[sflag:s22] =	ssyncadd.s32 $0xFFFFC000  }
0x2e: {  	[bflag:$0x0] =	sbarrier.arrive $0xFFFF  }
0x2f: {  	s28 =	sadd.s32 $0xFFFFFFFF, s19;
	s30 =	sshrl.u32 s20, $0x3;
	p0 =	por $0x0, $0x0  }
0x30: {  	s29 =	sadd.s32 s6, s30  }
0x31: {  	[tilespmem:s3], [sflag:$0x2] =	stream.linear.gather [hbm4b:s29+s3], $0x80, $0x38;
	[tilespmem:$0x1C100] =	vst v63  }
0x32: {  	_ =	swait.ge [sflag:s22], $0x80  }
0x33: {  	[sflag:s22] =	ssyncset.done $0x0  }
0x34: {  	s29 =	sadd.s32 s7, s30;
	[sflag:s22] =	ssyncadd.s32 $0xFFFFFF80  }
0x35: {  	[tilespmem:s23], [sflag:$0x2] =	stream.linear.gather [hbm4b:s29+s3], $0x80, $0x38;
	[tilespmem:$0x1C100] =	vst v63  }
0x36: {  	_ =	swait.ge [sflag:s22], $0x80  }
0x37: {  	[sflag:s22] =	ssyncset.done $0x0  }
0x38: {  	[sflag:s22] =	ssyncadd.s32 $0xFFFFFF80  }
0x39: {  	[tilespmem:s24], [sflag:$0x1] =	stream.indirect.gather [hbm4b:s5+s23], $0x80, s3, s23, $0xb8;
	[tilespmem:$0x1C100] =	vst v63  }
0x3a: {  	p1 =	sne.s32 s28, $0x1;
	_ =	swait.ge [sflag:s25], $0x4000  }
.Ltmp1:
0x3b: {  	[sflag:s25] =	ssyncset.done $0x0;
	(pc) =	sbr.rel @!p1 .LBB2_4-.Ltmp1, $4  }
0x3c: {  	[sflag:s25] =	ssyncadd.s32 $0xFFFFC000  }
0x3d: {  	[spmem:s2] =	stream.indirect.scatter.add.f32 [tilespmem:s24], [sflag:$0x2], $0x80, s23, s23, $0xb8;
	[tilespmem:$0x1C100] =	vst v63  }
0x3e: {  	s28 =	sadd.s32 $0xFFFFFFFF, s28;
	s29 =	sadd.s32 $0x1000, s20;
	_ =	swait.ge [sflag:s22], $0x4000  }
0x3f: {  	p0 =	por $0x1, $0x1;
	s30 =	sshrl.u32 s29, $0x3;
	[sflag:s22] =	ssyncset.done $0x0  }
.LBB2_3:
0x40: {  	p1 =	sne.s32 s28, $0x1;
	s31 =	sadd.s32 s6, s30;
	[sflag:s22] =	ssyncadd.s32 $0xFFFFC000  }
0x41: {  	[tilespmem:s3], [sflag:$0x2] =	stream.linear.gather [hbm4b:s31+s3], $0x80, $0x38;
	[tilespmem:$0x1C100] =	vst v63  }
0x42: {  	s28 =	sadd.s32 $0xFFFFFFFF, s28;
	_ =	swait.ge [sflag:s22], $0x80  }
0x43: {  	[sflag:s22] =	ssyncset.done $0x0  }
0x44: {  	s30 =	sadd.s32 s7, s30;
	[sflag:s22] =	ssyncadd.s32 $0xFFFFFF80  }
0x45: {  	[tilespmem:s23], [sflag:$0x2] =	stream.linear.gather [hbm4b:s30+s3], $0x80, $0x38;
	[tilespmem:$0x1C100] =	vst v63  }
0x46: {  	_ =	swait.ge [sflag:s22], $0x80  }
0x47: {  	[sflag:s22] =	ssyncset.done $0x0  }
0x48: {  	[sflag:s22] =	ssyncadd.s32 $0xFFFFFF80  }
0x49: {  	[tilespmem:s24], [sflag:$0x1] =	stream.indirect.gather [hbm4b:s5+s23], $0x80, s3, s23, $0xb8;
	[tilespmem:$0x1C100] =	vst v63  }
0x4a: {  	_ =	swait.ge [sflag:s25], $0x4000  }
.Ltmp2:
0x4b: {  	[sflag:s25] =	ssyncset.done $0x0;
	(pc) =	sbr.rel @p1 .LBB2_3-.Ltmp2, $4  }
0x4c: {  	[sflag:s25] =	ssyncadd.s32 $0xFFFFC000  }
0x4d: {  	[spmem:s2] =	stream.indirect.scatter.add.f32 [tilespmem:s24], [sflag:$0x2], $0x80, s23, s23, $0xb8;
	[tilespmem:$0x1C100] =	vst v63  }
0x4e: {  	s29 =	sadd.s32 $0x1000, s29;
	_ =	swait.ge [sflag:s22], $0x4000  }
0x4f: {  	s30 =	sshrl.u32 s29, $0x3;
	[sflag:s22] =	ssyncset.done $0x0  }
.LBB2_4:
0x50: {  	s28 =	sadd.s32 s6, s30;
	[sflag:s22] =	ssyncadd.s32 @p0 $0xFFFFC000  }
0x51: {  	[tilespmem:s3], [sflag:$0x2] =	stream.linear.gather [hbm4b:s28+s3], $0x80, $0x38;
	[tilespmem:$0x1C100] =	vst v63  }
0x52: {  	_ =	swait.ge [sflag:s22], $0x80  }
0x53: {  	[sflag:s22] =	ssyncset.done $0x0  }
0x54: {  	s31 =	sadd.s32 s7, s30;
	[sflag:s22] =	ssyncadd.s32 $0xFFFFFF80  }
0x55: {  	[tilespmem:s23], [sflag:$0x2] =	stream.linear.gather [hbm4b:s31+s3], $0x80, $0x38;
	[tilespmem:$0x1C100] =	vst v63  }
0x56: {  	_ =	swait.ge [sflag:s22], $0x80  }
0x57: {  	[sflag:s22] =	ssyncset.done $0x0  }
0x58: {  	[sflag:s22] =	ssyncadd.s32 $0xFFFFFF80  }
0x59: {  	[tilespmem:s24], [sflag:$0x1] =	stream.indirect.gather [hbm4b:s5+s23], $0x80, s3, s23, $0xb8;
	[tilespmem:$0x1C100] =	vst v63  }
0x5a: {  	_ =	swait.ge [sflag:s25], $0x4000  }
0x5b: {  	[sflag:s25] =	ssyncset.done $0x0  }
0x5c: {  	[sflag:s25] =	ssyncadd.s32 $0xFFFFC000  }
0x5d: {  	[spmem:s2] =	stream.indirect.scatter.add.f32 [tilespmem:s24], [sflag:$0x2], $0x80, s23, s23, $0xb8;
	[tilespmem:$0x1C100] =	vst v63  }
0x5e: {  	_ =	swait.ge [sflag:s22], $0x4000  }
0x5f: {  	[sflag:s22] =	ssyncset.done $0x0  }
0x60: {  	[sflag:s22] =	ssyncadd.s32 $0xFFFFC000  }
0x61: {  	[bflag:$0x0] =	sbarrier.arrive $0xFFFF  }
0x62: {  	[tilespmem:s21], [sflag:$0x2] =	stream.linear.gather [spmem:s8], $0x4000, $0x38;
	[tilespmem:$0x1C100] =	vst v63  }
0x63: {  	_ =	swait.ge [sflag:s22], $0x4000  }
0x64: {  	[sflag:s22] =	ssyncset.done $0x0  }
0x65: {  	[sflag:s22] =	ssyncadd.s32 $0xFFFFC000  }
0x66: {  	[hbm4b:s13+s3] =	stream.linear.scatter [tilespmem:s21], [sflag:$0x2], $0x4000, $0x38;
	[tilespmem:$0x1C100] =	vst v63  }
0x67: {  	_ =	swait.ge [sflag:s22], $0x4000  }
0x68: {  	[sflag:s22] =	ssyncset.done $0x0  }
0x69: {  	[sflag:s22] =	ssyncadd.s32 $0xFFFFC000  }
0x6a: {  	[tilespmem:s21], [sflag:$0x2] =	stream.linear.gather [spmem:s9], $0x4000, $0x38;
	[tilespmem:$0x1C100] =	vst v63  }
0x6b: {  	_ =	swait.ge [sflag:s22], $0x4000  }
0x6c: {  	[sflag:s22] =	ssyncset.done $0x0  }
0x6d: {  	[sflag:s22] =	ssyncadd.s32 $0xFFFFC000  }
0x6e: {  	[hbm4b:s14+s3] =	stream.linear.scatter [tilespmem:s21], [sflag:$0x2], $0x4000, $0x38;
	[tilespmem:$0x1C100] =	vst v63  }
0x6f: {  	_ =	swait.ge [sflag:s22], $0x4000  }
0x70: {  	[sflag:s22] =	ssyncset.done $0x0  }
0x71: {  	[sflag:s22] =	ssyncadd.s32 $0xFFFFC000  }
0x72: {  	[tilespmem:s21], [sflag:$0x2] =	stream.linear.gather [spmem:s10], $0x4000, $0x38;
	[tilespmem:$0x1C100] =	vst v63  }
0x73: {  	_ =	swait.ge [sflag:s22], $0x4000  }
0x74: {  	[sflag:s22] =	ssyncset.done $0x0  }
0x75: {  	[sflag:s22] =	ssyncadd.s32 $0xFFFFC000  }
0x76: {  	[hbm4b:s15+s3] =	stream.linear.scatter [tilespmem:s21], [sflag:$0x2], $0x4000, $0x38;
	[tilespmem:$0x1C100] =	vst v63  }
0x77: {  	_ =	swait.ge [sflag:s22], $0x4000  }
0x78: {  	[sflag:s22] =	ssyncset.done $0x0  }
0x79: {  	[sflag:s22] =	ssyncadd.s32 $0xFFFFC000  }
0x7a: {  	[tilespmem:s21], [sflag:$0x2] =	stream.linear.gather [spmem:s11], $0x4000, $0x38;
	[tilespmem:$0x1C100] =	vst v63  }
0x7b: {  	_ =	swait.ge [sflag:s22], $0x4000  }
0x7c: {  	[sflag:s22] =	ssyncset.done $0x0  }
0x7d: {  	[sflag:s22] =	ssyncadd.s32 $0xFFFFC000  }
0x7e: {  	[hbm4b:s16+s3] =	stream.linear.scatter [tilespmem:s21], [sflag:$0x2], $0x4000, $0x38;
	[tilespmem:$0x1C100] =	vst v63  }
0x7f: {  	_ =	swait.ge [sflag:s22], $0x4000  }
0x80: {  	[sflag:s22] =	ssyncset.done $0x0  }
0x81: {  	[sflag:s22] =	ssyncadd.s32 $0xFFFFC000  }
0x82: {  	[tilespmem:s21], [sflag:$0x2] =	stream.linear.gather [spmem:s12], $0x4000, $0x38;
	[tilespmem:$0x1C100] =	vst v63  }
0x83: {  	s26 =	sadd.s32 $0x1, s26;
	_ =	swait.ge [sflag:s22], $0x4000  }
0x84: {  	p0 =	sne.s32 s26, s18;
	[sflag:s22] =	ssyncset.done $0x0  }
.Ltmp3:
0x85: {  	[sflag:s22] =	ssyncadd.s32 $0xFFFFC000;
	(pc) =	sbr.rel @p0 .LBB2_1-.Ltmp3, $4  }
0x86: {  	[hbm4b:s17+s3] =	stream.linear.scatter [tilespmem:s21], [sflag:$0x2], $0x4000, $0x38;
	[tilespmem:$0x1C100] =	vst v63  }
0x87: {  	_ =	swait.ge [sflag:s22], $0x4000  }
0x88: {  	[sflag:s22] =	ssyncset.done $0x0  }
0x89: {  	[sflag:s22] =	ssyncadd.s32 $0xFFFFC000  }
0x8a: {  	_ =	sfence.sel $0x180000  }
0x8b: {  	[bflag:$0x0] =	sbarrier.arrive $0xFFFF  }
0x8c: {  	p0 =	sne.s32 s4, $0x0;
	_ =	strace $0x9000004A  }
0x8d: {  	s0 =	sadd.s32 @!p0 $0x100000, s0;
	[bflag:$0x2] =	sbarrier.arrive $0xFFFF  }
0x8e: {  	[sflag:s0] =	ssyncadd.tile.s32 @!p0 $0x1;
	_ =	shalt  }
.Lfunc_end2:
_tile_overlayer_lowered:
.L_overlay_start_2:
0x8f: {  	(tag) =	ssettag $0x2  }
0x90: {  	s0 =	rddreg [dreg:$0x0];
	s2 =	stileid.u32  }
0x91: {  	s1 =	rddreg [dreg:$0x1];
	p0 =	sne.s32 s2, $0x0  }
0x92: {  	s3 =	rddreg [dreg:$0x2];
	[bflag:$0x3] =	sbarrier.arrive $0xFFFF;
	s2 =	simm.s32 @!p0 $0x1C02  }
0x93: {  	[timem:s3], [sflag:s2] =	dma.local @!p0 [hbm:s0], s1  }
0x94: {  	s0 =	simm.s32 @!p0 $0x2  }
0x95: {  	_ =	swait.ge @!p0 [sflag:s0], s1  }
0x96: {  	s1 =	ssub.s32 @!p0 $0x0, s1;
	[sflag:s0] =	ssyncset.done @!p0 $0x0  }
0x97: {  	[sflag:s0] =	ssyncadd.s32 @!p0 s1  }
0x98: {  	[bflag:$0x3] =	sbarrier.arrive $0xFFFF  }
0x99: {  	_ =	shalt  }

// kernel: kernel.14.cloned.1.call-start
scs
__scs_entry_jumppad:
0x0: {  	(pc) =	sbr.rel $0x88, $3  }
0x1: {  	(tag) =	ssettag $0x0;
	lr =	simm.s32 $0x1  }
0x2: {  	[smem:$0x3F9B] =	sst lr;
	_ =	strace $0xD0000000  }
0x3: {  	_ = 	snop  }
0x4: {  	_ = 	snop  }
0x5: {  	_ = 	snop  }
0x6: {  	_ = 	snop  }
0x7: {  	_ = 	snop  }
__scs_overlays_trampoline_lowered:
0x8: {  	[smem:$0x3FAA] =	sst s0  }
0x9: {  	[smem:$0x3FAB] =	sst s1  }
0xa: {  	[smem:$0x3FAC] =	sst s2  }
0xb: {  	[smem:$0x3FAD] =	sst s3  }
0xc: {  	[smem:$0x3FAE] =	sst s4  }
0xd: {  	[smem:$0x3FAF] =	sst s5  }
0xe: {  	[smem:$0x3FB0] =	sst s6  }
0xf: {  	[smem:$0x3FB1] =	sst s7  }
0x10: {  	[smem:$0x3FB2] =	sst s8  }
0x11: {  	[smem:$0x3FB3] =	sst s9;
	s0 =	simm.s32 @!p0 $0x0  }
0x12: {  	s1 =	sld [smem:$0x3F99];
	s0 =	simm.s32 @p0 $0x1  }
0x13: {  	[smem:$0x3FB4] =	sst s0;
	s0 =	simm.s32 @!p1 $0x0  }
0x14: {  	s2 =	sld [smem:$0x3F98];
	s0 =	simm.s32 @p1 $0x1  }
0x15: {  	[smem:$0x3FB5] =	sst s0;
	s0 =	simm.s32 @!p2 $0x0  }
0x16: {  	s3 =	sld [smem:$0x3FDB];
	s0 =	simm.s32 @p2 $0x1  }
0x17: {  	s4 =	simm.s32 $0x1BF5;
	[smem:$0x3FB7] =	sst s0  }
0x18: {  	s0 =	sld [smem:$0x3F9A];
	_ =	swait.ge [sflag:s4], $0x0  }
0x19: {  	s7 =	sld [smem:$0x3F9B]  }
0x1a: {  	s8 =	sadd.s32 $0xFFFFE003, lr  }
0x1b: {  	s9 =	sadd.s32 $0xFFFFFEF7, lr;
	s5 =	simm.s32 $0xFFFFFFFF;
	p2 =	slt.u32 s8, $0xFFFFF086  }
0x1c: {  	p1 =	slt.u32 s9, $0xF7A;
	s5 =	simm.s32 @!p2 $0x0  }
0x1d: {  	s5 =	simm.s32 @p1 $0x1;
	p0 =	seq.s32 s7, s2  }
0x1e: {  	s7 =	smul.u32 @!p0 $0xF7A, s2;
	p2 =	seq.s32 @!p0 s5, $0x0  }
0x1f: {  	s9 =	smul.u32 $0xF7A, s1;
	s8 =	simm.s32 @!p0 $0x1BF5;
	p2 =	por !p2, p0  }
0x20: {  	[sflag:s8] =	ssyncset.s32 @!p0 $0xFFFFF086;
	s6 =	sadd.s32 @!p0 s3, s7;
	s7 =	simm.s32 @!p0 $0x108  }
0x21: {  	s3 =	sadd.s32 s3, s9;
	s6 =	sadd.s32 @!p0 $0x88, s6;
	s7 =	simm.s32 @p2 $0x1082  }
0x22: {  	[simem:s7], [sflag:s8] =	dma.local @!p0 [hbm:s6], $0xF7A  }
0x23: {  	s9 =	sor.u32 $0xD0000000, s2;
	s6 =	simm.s32 $0x108;
	_ =	swait.ge @!p0 [sflag:s8], $0x0  }
0x24: {  	s3 =	sadd.s32 $0x88, s3;
	s6 =	simm.s32 @!p1 $0x1082;
	[sflag:s4] =	ssyncset.s32 $0xFFFFF086  }
0x25: {  	[simem:s6], [sflag:s4] =	dma.local [hbm:s3], $0xF7A  }
0x26: {  	[smem:$0x3F9B] =	sst s1;
	(tag) =	ssettag s2;
	_ =	strace s9  }
0x27: {  	s1 =	sld [smem:$0x3FAB]  }
0x28: {  	s2 =	sld [smem:$0x3FAC]  }
0x29: {  	s4 =	sld [smem:$0x3FAE]  }
0x2a: {  	p0 =	seq.s32 s5, $0x0;
	s5 =	sld [smem:$0x3FAF]  }
0x2b: {  	s6 =	sld [smem:$0x3FB0]  }
0x2c: {  	s7 =	sld [smem:$0x3FB1]  }
0x2d: {  	s3 =	simm.s32 $0x108;
	s8 =	sld [smem:$0x3FB2]  }
0x2e: {  	s3 =	simm.s32 @!p0 $0x1082;
	s9 =	sld [smem:$0x3FB3]  }
0x2f: {  	lr =	sadd.s32 s0, s3;
	s0 =	sld [smem:$0x3FAA]  }
0x30: {  	s3 =	sld [smem:$0x3FAD]  }
0x31: {  	[smem:$0x3FB6] =	sst s10  }
0x32: {  	s10 =	sld [smem:$0x3FB4];
	_ =	sdelay $0x3  }
0x33: {  	p0 =	seq.s32 s10, $0x1;
	s10 =	sld [smem:$0x3FB6];
	_ =	sdelay $0x3  }
0x34: {  	[smem:$0x3FB6] =	sst s10  }
0x35: {  	s10 =	sld [smem:$0x3FB5];
	_ =	sdelay $0x3  }
0x36: {  	p1 =	seq.s32 s10, $0x1;
	s10 =	sld [smem:$0x3FB6];
	_ =	sdelay $0x3  }
0x37: {  	[smem:$0x3FB6] =	sst s10  }
0x38: {  	s10 =	sld [smem:$0x3FB7]  }
0x39: {  	_ = 	snop;
	(pc) =	sbr.ind lr, $3  }
0x3a: {  	_ = 	snop  }
0x3b: {  	_ = 	snop  }
0x3c: {  	p2 =	seq.s32 s10, $0x1;
	s10 =	sld [smem:$0x3FB6]  }
0x3d: {  	_ =	shalt  }
0x3e: {  	_ =	shalt  }
0x3f: {  	_ =	shalt  }
0x40: {  	_ =	shalt  }
0x41: {  	_ =	shalt  }
0x42: {  	_ =	shalt  }
0x43: {  	_ =	shalt  }
0x44: {  	_ =	shalt  }
0x45: {  	_ =	shalt  }
0x46: {  	_ =	shalt  }
0x47: {  	_ =	shalt  }
0x48: {  	_ =	shalt  }
0x49: {  	_ =	shalt  }
0x4a: {  	_ =	shalt  }
0x4b: {  	_ =	shalt  }
0x4c: {  	_ =	shalt  }
0x4d: {  	_ =	shalt  }
0x4e: {  	_ =	shalt  }
0x4f: {  	_ =	shalt  }
0x50: {  	_ =	shalt  }
0x51: {  	_ =	shalt  }
0x52: {  	_ =	shalt  }
0x53: {  	_ =	shalt  }
0x54: {  	_ =	shalt  }
0x55: {  	_ =	shalt  }
0x56: {  	_ =	shalt  }
0x57: {  	_ =	shalt  }
0x58: {  	_ =	shalt  }
0x59: {  	_ =	shalt  }
0x5a: {  	_ =	shalt  }
0x5b: {  	_ =	shalt  }
0x5c: {  	_ =	shalt  }
0x5d: {  	_ =	shalt  }
0x5e: {  	_ =	shalt  }
0x5f: {  	_ =	shalt  }
0x60: {  	_ =	shalt  }
0x61: {  	_ =	shalt  }
0x62: {  	_ =	shalt  }
0x63: {  	_ =	shalt  }
0x64: {  	_ =	shalt  }
0x65: {  	_ =	shalt  }
0x66: {  	_ =	shalt  }
0x67: {  	_ =	shalt  }
0x68: {  	_ =	shalt  }
0x69: {  	_ =	shalt  }
0x6a: {  	_ =	shalt  }
0x6b: {  	_ =	shalt  }
0x6c: {  	_ =	shalt  }
0x6d: {  	_ =	shalt  }
0x6e: {  	_ =	shalt  }
0x6f: {  	_ =	shalt  }
0x70: {  	_ =	shalt  }
0x71: {  	_ =	shalt  }
0x72: {  	_ =	shalt  }
0x73: {  	_ =	shalt  }
0x74: {  	_ =	shalt  }
0x75: {  	_ =	shalt  }
0x76: {  	_ =	shalt  }
0x77: {  	_ =	shalt  }
0x78: {  	_ =	shalt  }
0x79: {  	_ =	shalt  }
0x7a: {  	_ =	shalt  }
0x7b: {  	_ =	shalt  }
0x7c: {  	_ =	shalt  }
0x7d: {  	_ =	shalt  }
0x7e: {  	_ =	shalt  }
0x7f: {  	_ =	shalt  }
0x80: {  	_ =	shalt  }
0x81: {  	_ =	shalt  }
0x82: {  	_ =	shalt  }
0x83: {  	_ =	shalt  }
0x84: {  	_ =	shalt  }
0x85: {  	_ =	shalt  }
0x86: {  	_ =	shalt  }
0x87: {  	_ =	shalt  }
.Lfunc_end0:
.L_simem_size_0:
called_computation.2_lowered:
.L_overlay_start_0:
0x88: {  	s2 =	sld [smem:$0x3FD9]  }
0x89: {  	s3 =	sld [smem:$0x3FFE];
	_ =	sdelay $0x1  }
0x8a: {  	s1 =	srdreg.scid  }
0x8b: {  	s0 =	sand.u32 $0x1, s1  }
0x8c: {  	s17 =	sshll.u32 s0, $0xA;
	s2 =	sadd.s32 s3, s2  }
0x8d: {  	s2 =	sadd.s32 s2, s17  }
0x8e: {  	[smem:$0x3FC2] =	sst s2  }
0x8f: {  	_ = 	snop  }
0x90: {  	s2 =	sld [smem:$0x3FD0];
	(tm) =	ssettm $0x1  }
0x91: {  	s18 =	sld [smem:$0x3FFB];
	_ =	sdelay $0x3  }
0x92: {  	_ =	strace s18  }
0x93: {  	s3 =	sld [smem:$0x3FFC];
	_ =	sdelay $0x3  }
0x94: {  	_ =	strace s3  }
0x95: {  	s3 =	sld [smem:$0x3FFD];
	_ =	sdelay $0x3  }
0x96: {  	_ =	strace s3  }
0x97: {  	_ =	strace $0x8FFFFFFF  }
0x98: {  	s19 =	sld [smem:$0x3FDB];
	_ =	sdelay $0x1  }
0x99: {  	s4 =	simm.s32 $_scs_section_size  }
0x9a: {  	s5 =	simm.s32 $_size__tile_overlayer_lowered;
	s6 =	simm.s32 $_tile_overlayer_lowered  }
0x9b: {  	s22 =	simm.s32 $0x1BFF;
	s21 =	sshll.u32 s6, $0x1;
	s3 =	sadd.s32 s4, s19  }
0x9c: {  	s7 =	simm.s32 $0x0;
	s20 =	sshll.u32 s5, $0x1;
	s5 =	sadd.s32 s21, s3  }
0x9d: {  	[timem:s7], [sflag:s22] =	dma.local [hbm:s5], s20  }
0x9e: {  	_ =	swait.ge [sflag:s22], s20  }
0x9f: {  	s4 =	ssub.s32 $0x0, s20;
	[sflag:s22] =	ssyncset.done $0x0  }
0xa0: {  	[sflag:s22] =	ssyncadd.s32 s4;
	_ =	sdelay $0x1  }
0xa1: {  	s23 =	simm.s32 $0x1B8B  }
0xa2: {  	_ =	swait.ge [sflag:s23], $0x1  }
0xa3: {  	[sflag:s23] =	ssyncset.done $0x0  }
0xa4: {  	s25 =	simm.s32 $0x1B8E;
	s24 =	sld [smem:$0x3FFE];
	[sflag:s23] =	ssyncadd.s32 $0xFFFFFFFF  }
0xa5: {  	s26 =	simm.s32 $execute0_lowered;
	[smem:$0x3FD2] =	sst s25  }
0xa6: {  	s5 =	sshll.u32 s26, $0x1;
	_ =	strace $0x8000004C;
	[dreg:$0x1] =	wrdreg $0xFFFFFFFF  }
0xa7: {  	s28 =	simm.s32 $_size_execute0_lowered;
	s3 =	sadd.s32 s3, s5;
	[dreg:$0x0] =	wrdreg $0x0  }
0xa8: {  	s5 =	sshll.u32 s28, $0x1;
	[dreg:$0x2] =	wrdreg s3  }
0xa9: {  	[dreg:$0x3] =	wrdreg s5  }
0xaa: {  	[dreg:$0x4] =	wrdreg $0xC0  }
0xab: {  	_ =	task [dreg:s7], $0x5FFFF  }
0xac: {  	[dreg:$0x1] =	wrdreg $0xFFFFFFFF  }
0xad: {  	[dreg:$0x0] =	wrdreg $0x60  }
0xae: {  	[dreg:$0x2] =	wrdreg s2  }
0xaf: {  	[dreg:$0x3] =	wrdreg s24  }
0xb0: {  	[dreg:$0x4] =	wrdreg $0x41000  }
0xb1: {  	[dreg:$0x5] =	wrdreg $0x9  }
0xb2: {  	_ =	task.clear_ibuf [dreg:s7], $0x6FFFF;
	_ =	strace $0x9000004C  }
0xb3: {  	s29 =	simm.s32 $0x9;
	_ =	strace $0x8000004E  }
0xb4: {  	_ =	swait.ge [sflag:s29], $0x1  }
0xb5: {  	[sflag:s29] =	ssyncadd.s32 $0xFFFFFFFF  }
0xb6: {  	_ =	strace $0x9000004E  }
0xb7: {  	_ =	sfence  }
0xb8: {  	s30 =	sld [smem:$0x0];
	_ =	sdelay $0x2  }
0xb9: {  	s31 =	sshll.u32 s1, $0xD;
	s1 =	sshrl.u32 s1, $0x2  }
0xba: {  	s3 =	sand.u32 $0x4000, s31;
	s1 =	sadd.s32 s1, s30  }
0xbb: {  	s0 =	sor.u32 s3, s0;
	s1 =	sshll.u32 s1, $0x11  }
0xbc: {  	s0 =	sor.u32 s1, s0  }
0xbd: {  	s0 =	sadd.s32 $0x8F2B, s0  }
0xbe: {  	[sflag:s0] =	ssyncadd.remote.s32 $0x1  }
0xbf: {  	_ =	sfence.sel $0xFFFF  }
0xc0: {  	[dreg:$0x0] =	wrdreg $0xFFFFFFFF;
	(pc) =	sbr.abs _section_cstart, $3  }
0xc1: {  	[dreg:$0x1] =	wrdreg $0xFFFFFFFF  }
0xc2: {  	_ =	task.clear_ibuf [dreg:s7], $0x2FFFF;
	_ =	strace $0x9FFFFFFF  }
0xc3: {  	(tm) =	ssettm $0x7FFFFFFF  }
tec
execute0_lowered:
.L_overlay_start_1:
0x0: {  	(tag) =	ssettag $0x1  }
0x1: {  	s1 =	rddreg [dreg:$0x0]  }
0x2: {  	s8 =	rddreg [dreg:$0x1]  }
0x3: {  	s2 =	rddreg [dreg:$0x2]  }
0x4: {  	s0 =	rddreg [dreg:$0x3];
	s3 =	simm.s32 $0x0;
	s4 =	srdreg.scid  }
0x5: {  	s24 =	simm.s32 $0x100;
	s25 =	simm.s32 $0x1;
	s26 =	simm.s32 $0x0  }
0x6: {  	[smem:$0x7FF] =	sst s3;
	s18 =	sand.u32 $0x1, s4;
	s5 =	sadd.s32 $0x2200, s8  }
0x7: {  	s4 =	stileid.u32;
	s6 =	sadd.s32 $0xC000, s8;
	s7 =	sadd.s32 $0x64200, s8  }
0x8: {  	s17 =	sadd.s32 $0x64600, s8;
	_ =	strace $0x8000004D;
	s12 =	smul.u32 $0xA000, s4  }
0x9: {  	s9 =	ssub.s32 $0x2, s18;
	s20 =	sshll.u32 s4, $0x1;
	s21 =	smul.u32 $0xA0000, s18  }
0xa: {  	s30 =	sshll.u32 s4, $0x8;
	s31 =	sshll.u32 s18, $0x7;
	s10 =	sshrl.u32 s9, $0x1  }
0xb: {  	s20 =	sor.u32 s20, s18;
	s19 =	ssub.s32 s9, s10;
	s8 =	sadd.s32 s12, s2  }
0xc: {  	s13 =	sadd.s32 $0x2000, s12;
	s15 =	sadd.s32 $0x4000, s12;
	s16 =	sadd.s32 $0x6000, s12  }
0xd: {  	s22 =	sadd.s32 $0x8000, s12;
	s14 =	sadd.s32 s12, s21;
	s20 =	ssub.s32 $0x9E3, s20  }
0xe: {  	s9 =	sadd.s32 s13, s2;
	s10 =	sadd.s32 s15, s2;
	s11 =	sadd.s32 s16, s2  }
0xf: {  	s13 =	sadd.s32 s21, s13;
	s12 =	sadd.s32 s22, s2;
	s14 =	sshrl.u32 s14, $0x3  }
0x10: {  	s15 =	sadd.s32 s21, s15;
	s16 =	sadd.s32 s21, s16;
	s21 =	sadd.s32 s21, s22  }
0x11: {  	s18 =	smax.u32 s19, $0x1;
	s19 =	sshrl.u32 s20, $0x5;
	s20 =	sor.u32 s31, s30  }
0x12: {  	s22 =	simm.s32 $0x2;
	s23 =	sshrl.u32 s13, $0x3;
	s13 =	sadd.s32 s17, s14  }
0x13: {  	s15 =	sshrl.u32 s15, $0x3;
	s16 =	sshrl.u32 s16, $0x3;
	s21 =	sshrl.u32 s21, $0x3  }
0x14: {  	s14 =	sadd.s32 s17, s23;
	s15 =	sadd.s32 s17, s15;
	s16 =	sadd.s32 s17, s16  }
0x15: {  	s17 =	sadd.s32 s17, s21;
	s21 =	simm.s32 $0x2100;
	s23 =	simm.s32 $0x80  }
.LBB2_1:
0x16: {  	[tilespmem:s21], [sflag:$0x2] =	stream.linear.gather [hbm4b:s7+s3], $0x2000, $0x38;
	[tilespmem:$0xE100] =	vst v63  }
0x17: {  	_ =	swait.ge [sflag:s22], $0x2000  }
0x18: {  	[sflag:s22] =	ssyncset.done $0x0  }
0x19: {  	[sflag:s22] =	ssyncadd.s32 $0xFFFFE000  }
0x1a: {  	[spmem:s8] =	stream.linear.scatter [tilespmem:s21], [sflag:$0x2], $0x2000, $0x38;
	[tilespmem:$0xE100] =	vst v63  }
0x1b: {  	_ =	swait.ge [sflag:s22], $0x2000  }
0x1c: {  	[sflag:s22] =	ssyncset.done $0x0  }
0x1d: {  	[sflag:s22] =	ssyncadd.s32 $0xFFFFE000  }
0x1e: {  	[spmem:s9] =	stream.linear.scatter [tilespmem:s21], [sflag:$0x2], $0x2000, $0x38;
	[tilespmem:$0xE100] =	vst v63  }
0x1f: {  	_ =	swait.ge [sflag:s22], $0x2000  }
0x20: {  	[sflag:s22] =	ssyncset.done $0x0  }
0x21: {  	[sflag:s22] =	ssyncadd.s32 $0xFFFFE000  }
0x22: {  	[spmem:s10] =	stream.linear.scatter [tilespmem:s21], [sflag:$0x2], $0x2000, $0x38;
	[tilespmem:$0xE100] =	vst v63  }
0x23: {  	_ =	swait.ge [sflag:s22], $0x2000  }
0x24: {  	[sflag:s22] =	ssyncset.done $0x0  }
0x25: {  	[sflag:s22] =	ssyncadd.s32 $0xFFFFE000  }
0x26: {  	[spmem:s11] =	stream.linear.scatter [tilespmem:s21], [sflag:$0x2], $0x2000, $0x38;
	[tilespmem:$0xE100] =	vst v63  }
0x27: {  	_ =	swait.ge [sflag:s22], $0x2000  }
0x28: {  	[sflag:s22] =	ssyncset.done $0x0  }
0x29: {  	p1 =	sne.s32 s19, $0x1;
	[sflag:s22] =	ssyncadd.s32 $0xFFFFE000  }
0x2a: {  	[spmem:s12] =	stream.linear.scatter [tilespmem:s21], [sflag:$0x2], $0x2000, $0x38;
	[tilespmem:$0xE100] =	vst v63  }
.Ltmp0:
0x2b: {  	_ =	swait.ge [sflag:s22], $0x2000;
	(pc) =	sbr.rel @!p1 .LBB2_4-.Ltmp0, $4  }
0x2c: {  	[sflag:s22] =	ssyncset.done $0x0  }
0x2d: {  	[sflag:s22] =	ssyncadd.s32 $0xFFFFE000  }
0x2e: {  	[bflag:$0x0] =	sbarrier.arrive $0xFFFF  }
0x2f: {  	s28 =	sadd.s32 $0xFFFFFFFF, s19;
	s30 =	sshrl.u32 s20, $0x3;
	p0 =	por $0x0, $0x0  }
0x30: {  	s29 =	sadd.s32 s5, s30  }
0x31: {  	[tilespmem:s3], [sflag:$0x2] =	stream.linear.gather [hbm4b:s29+s3], $0x80, $0x38;
	[tilespmem:$0xE100] =	vst v63  }
0x32: {  	_ =	swait.ge [sflag:s22], $0x80  }
0x33: {  	[sflag:s22] =	ssyncset.done $0x0  }
0x34: {  	s29 =	sadd.s32 s6, s30;
	[sflag:s22] =	ssyncadd.s32 $0xFFFFFF80  }
0x35: {  	[tilespmem:s23], [sflag:$0x2] =	stream.linear.gather [hbm4b:s29+s3], $0x80, $0x38;
	[tilespmem:$0xE100] =	vst v63  }
0x36: {  	_ =	swait.ge [sflag:s22], $0x80  }
0x37: {  	[sflag:s22] =	ssyncset.done $0x0  }
0x38: {  	[sflag:s22] =	ssyncadd.s32 $0xFFFFFF80  }
0x39: {  	[tilespmem:s24], [sflag:$0x1] =	stream.indirect.gather [hbm4b:s1+s23], $0x40, s3, s23, $0xb8;
	[tilespmem:$0xE100] =	vst v63  }
0x3a: {  	p1 =	sne.s32 s28, $0x1;
	_ =	swait.ge [sflag:s25], $0x2000  }
.Ltmp1:
0x3b: {  	[sflag:s25] =	ssyncset.done $0x0;
	(pc) =	sbr.rel @!p1 .LBB2_4-.Ltmp1, $4  }
0x3c: {  	[sflag:s25] =	ssyncadd.s32 $0xFFFFE000  }
0x3d: {  	[spmem:s2] =	stream.indirect.scatter.add.f32 [tilespmem:s24], [sflag:$0x2], $0x40, s23, s23, $0xb8;
	[tilespmem:$0xE100] =	vst v63  }
0x3e: {  	s28 =	sadd.s32 $0xFFFFFFFF, s28;
	s29 =	sadd.s32 $0x1000, s20;
	_ =	swait.ge [sflag:s22], $0x2000  }
0x3f: {  	p0 =	por $0x1, $0x1;
	s30 =	sshrl.u32 s29, $0x3;
	[sflag:s22] =	ssyncset.done $0x0  }
.LBB2_3:
0x40: {  	p1 =	sne.s32 s28, $0x1;
	s31 =	sadd.s32 s5, s30;
	[sflag:s22] =	ssyncadd.s32 $0xFFFFE000  }
0x41: {  	[tilespmem:s3], [sflag:$0x2] =	stream.linear.gather [hbm4b:s31+s3], $0x80, $0x38;
	[tilespmem:$0xE100] =	vst v63  }
0x42: {  	s28 =	sadd.s32 $0xFFFFFFFF, s28;
	_ =	swait.ge [sflag:s22], $0x80  }
0x43: {  	[sflag:s22] =	ssyncset.done $0x0  }
0x44: {  	s30 =	sadd.s32 s6, s30;
	[sflag:s22] =	ssyncadd.s32 $0xFFFFFF80  }
0x45: {  	[tilespmem:s23], [sflag:$0x2] =	stream.linear.gather [hbm4b:s30+s3], $0x80, $0x38;
	[tilespmem:$0xE100] =	vst v63  }
0x46: {  	_ =	swait.ge [sflag:s22], $0x80  }
0x47: {  	[sflag:s22] =	ssyncset.done $0x0  }
0x48: {  	[sflag:s22] =	ssyncadd.s32 $0xFFFFFF80  }
0x49: {  	[tilespmem:s24], [sflag:$0x1] =	stream.indirect.gather [hbm4b:s1+s23], $0x40, s3, s23, $0xb8;
	[tilespmem:$0xE100] =	vst v63  }
0x4a: {  	_ =	swait.ge [sflag:s25], $0x2000  }
.Ltmp2:
0x4b: {  	[sflag:s25] =	ssyncset.done $0x0;
	(pc) =	sbr.rel @p1 .LBB2_3-.Ltmp2, $4  }
0x4c: {  	[sflag:s25] =	ssyncadd.s32 $0xFFFFE000  }
0x4d: {  	[spmem:s2] =	stream.indirect.scatter.add.f32 [tilespmem:s24], [sflag:$0x2], $0x40, s23, s23, $0xb8;
	[tilespmem:$0xE100] =	vst v63  }
0x4e: {  	s29 =	sadd.s32 $0x1000, s29;
	_ =	swait.ge [sflag:s22], $0x2000  }
0x4f: {  	s30 =	sshrl.u32 s29, $0x3;
	[sflag:s22] =	ssyncset.done $0x0  }
.LBB2_4:
0x50: {  	s28 =	sadd.s32 s5, s30;
	[sflag:s22] =	ssyncadd.s32 @p0 $0xFFFFE000  }
0x51: {  	[tilespmem:s3], [sflag:$0x2] =	stream.linear.gather [hbm4b:s28+s3], $0x80, $0x38;
	[tilespmem:$0xE100] =	vst v63  }
0x52: {  	_ =	swait.ge [sflag:s22], $0x80  }
0x53: {  	[sflag:s22] =	ssyncset.done $0x0  }
0x54: {  	s31 =	sadd.s32 s6, s30;
	[sflag:s22] =	ssyncadd.s32 $0xFFFFFF80  }
0x55: {  	[tilespmem:s23], [sflag:$0x2] =	stream.linear.gather [hbm4b:s31+s3], $0x80, $0x38;
	[tilespmem:$0xE100] =	vst v63  }
0x56: {  	_ =	swait.ge [sflag:s22], $0x80  }
0x57: {  	[sflag:s22] =	ssyncset.done $0x0  }
0x58: {  	[sflag:s22] =	ssyncadd.s32 $0xFFFFFF80  }
0x59: {  	[tilespmem:s24], [sflag:$0x1] =	stream.indirect.gather [hbm4b:s1+s23], $0x40, s3, s23, $0xb8;
	[tilespmem:$0xE100] =	vst v63  }
0x5a: {  	_ =	swait.ge [sflag:s25], $0x2000  }
0x5b: {  	[sflag:s25] =	ssyncset.done $0x0  }
0x5c: {  	[sflag:s25] =	ssyncadd.s32 $0xFFFFE000  }
0x5d: {  	[spmem:s2] =	stream.indirect.scatter.add.f32 [tilespmem:s24], [sflag:$0x2], $0x40, s23, s23, $0xb8;
	[tilespmem:$0xE100] =	vst v63  }
0x5e: {  	_ =	swait.ge [sflag:s22], $0x2000  }
0x5f: {  	[sflag:s22] =	ssyncset.done $0x0  }
0x60: {  	[sflag:s22] =	ssyncadd.s32 $0xFFFFE000  }
0x61: {  	[bflag:$0x0] =	sbarrier.arrive $0xFFFF  }
0x62: {  	[tilespmem:s21], [sflag:$0x2] =	stream.linear.gather [spmem:s8], $0x2000, $0x38;
	[tilespmem:$0xE100] =	vst v63  }
0x63: {  	_ =	swait.ge [sflag:s22], $0x2000  }
0x64: {  	[sflag:s22] =	ssyncset.done $0x0  }
0x65: {  	[sflag:s22] =	ssyncadd.s32 $0xFFFFE000  }
0x66: {  	[hbm4b:s13+s3] =	stream.linear.scatter [tilespmem:s21], [sflag:$0x2], $0x2000, $0x38;
	[tilespmem:$0xE100] =	vst v63  }
0x67: {  	_ =	swait.ge [sflag:s22], $0x2000  }
0x68: {  	[sflag:s22] =	ssyncset.done $0x0  }
0x69: {  	[sflag:s22] =	ssyncadd.s32 $0xFFFFE000  }
0x6a: {  	[tilespmem:s21], [sflag:$0x2] =	stream.linear.gather [spmem:s9], $0x2000, $0x38;
	[tilespmem:$0xE100] =	vst v63  }
0x6b: {  	_ =	swait.ge [sflag:s22], $0x2000  }
0x6c: {  	[sflag:s22] =	ssyncset.done $0x0  }
0x6d: {  	[sflag:s22] =	ssyncadd.s32 $0xFFFFE000  }
0x6e: {  	[hbm4b:s14+s3] =	stream.linear.scatter [tilespmem:s21], [sflag:$0x2], $0x2000, $0x38;
	[tilespmem:$0xE100] =	vst v63  }
0x6f: {  	_ =	swait.ge [sflag:s22], $0x2000  }
0x70: {  	[sflag:s22] =	ssyncset.done $0x0  }
0x71: {  	[sflag:s22] =	ssyncadd.s32 $0xFFFFE000  }
0x72: {  	[tilespmem:s21], [sflag:$0x2] =	stream.linear.gather [spmem:s10], $0x2000, $0x38;
	[tilespmem:$0xE100] =	vst v63  }
0x73: {  	_ =	swait.ge [sflag:s22], $0x2000  }
0x74: {  	[sflag:s22] =	ssyncset.done $0x0  }
0x75: {  	[sflag:s22] =	ssyncadd.s32 $0xFFFFE000  }
0x76: {  	[hbm4b:s15+s3] =	stream.linear.scatter [tilespmem:s21], [sflag:$0x2], $0x2000, $0x38;
	[tilespmem:$0xE100] =	vst v63  }
0x77: {  	_ =	swait.ge [sflag:s22], $0x2000  }
0x78: {  	[sflag:s22] =	ssyncset.done $0x0  }
0x79: {  	[sflag:s22] =	ssyncadd.s32 $0xFFFFE000  }
0x7a: {  	[tilespmem:s21], [sflag:$0x2] =	stream.linear.gather [spmem:s11], $0x2000, $0x38;
	[tilespmem:$0xE100] =	vst v63  }
0x7b: {  	_ =	swait.ge [sflag:s22], $0x2000  }
0x7c: {  	[sflag:s22] =	ssyncset.done $0x0  }
0x7d: {  	[sflag:s22] =	ssyncadd.s32 $0xFFFFE000  }
0x7e: {  	[hbm4b:s16+s3] =	stream.linear.scatter [tilespmem:s21], [sflag:$0x2], $0x2000, $0x38;
	[tilespmem:$0xE100] =	vst v63  }
0x7f: {  	_ =	swait.ge [sflag:s22], $0x2000  }
0x80: {  	[sflag:s22] =	ssyncset.done $0x0  }
0x81: {  	[sflag:s22] =	ssyncadd.s32 $0xFFFFE000  }
0x82: {  	[tilespmem:s21], [sflag:$0x2] =	stream.linear.gather [spmem:s12], $0x2000, $0x38;
	[tilespmem:$0xE100] =	vst v63  }
0x83: {  	s26 =	sadd.s32 $0x1, s26;
	_ =	swait.ge [sflag:s22], $0x2000  }
0x84: {  	p0 =	sne.s32 s26, s18;
	[sflag:s22] =	ssyncset.done $0x0  }
.Ltmp3:
0x85: {  	[sflag:s22] =	ssyncadd.s32 $0xFFFFE000;
	(pc) =	sbr.rel @p0 .LBB2_1-.Ltmp3, $4  }
0x86: {  	[hbm4b:s17+s3] =	stream.linear.scatter [tilespmem:s21], [sflag:$0x2], $0x2000, $0x38;
	[tilespmem:$0xE100] =	vst v63  }
0x87: {  	_ =	swait.ge [sflag:s22], $0x2000  }
0x88: {  	[sflag:s22] =	ssyncset.done $0x0  }
0x89: {  	[sflag:s22] =	ssyncadd.s32 $0xFFFFE000  }
0x8a: {  	_ =	sfence.sel $0x180000  }
0x8b: {  	[bflag:$0x0] =	sbarrier.arrive $0xFFFF  }
0x8c: {  	p0 =	sne.s32 s4, $0x0;
	_ =	strace $0x9000004D  }
0x8d: {  	s0 =	sadd.s32 @!p0 $0x100000, s0;
	[bflag:$0x2] =	sbarrier.arrive $0xFFFF  }
0x8e: {  	[sflag:s0] =	ssyncadd.tile.s32 @!p0 $0x1;
	_ =	shalt  }
.Lfunc_end2:
_tile_overlayer_lowered:
.L_overlay_start_2:
0x8f: {  	(tag) =	ssettag $0x2  }
0x90: {  	s0 =	rddreg [dreg:$0x0];
	s2 =	stileid.u32  }
0x91: {  	s1 =	rddreg [dreg:$0x1];
	p0 =	sne.s32 s2, $0x0  }
0x92: {  	s3 =	rddreg [dreg:$0x2];
	[bflag:$0x3] =	sbarrier.arrive $0xFFFF;
	s2 =	simm.s32 @!p0 $0x1C02  }
0x93: {  	[timem:s3], [sflag:s2] =	dma.local @!p0 [hbm:s0], s1  }
0x94: {  	s0 =	simm.s32 @!p0 $0x2  }
0x95: {  	_ =	swait.ge @!p0 [sflag:s0], s1  }
0x96: {  	s1 =	ssub.s32 @!p0 $0x0, s1;
	[sflag:s0] =	ssyncset.done @!p0 $0x0  }
0x97: {  	[sflag:s0] =	ssyncadd.s32 @!p0 s1  }
0x98: {  	[bflag:$0x3] =	sbarrier.arrive $0xFFFF  }
0x99: {  	_ =	shalt  }

// kernel: kernel.8.cloned.1.call-start
scs
__scs_entry_jumppad:
0x0: {  	(pc) =	sbr.rel $0x88, $3  }
0x1: {  	(tag) =	ssettag $0x0;
	lr =	simm.s32 $0x1  }
0x2: {  	[smem:$0x3F9B] =	sst lr;
	_ =	strace $0xD0000000  }
0x3: {  	_ = 	snop  }
0x4: {  	_ = 	snop  }
0x5: {  	_ = 	snop  }
0x6: {  	_ = 	snop  }
0x7: {  	_ = 	snop  }
__scs_overlays_trampoline_lowered:
0x8: {  	[smem:$0x3FAA] =	sst s0  }
0x9: {  	[smem:$0x3FAB] =	sst s1  }
0xa: {  	[smem:$0x3FAC] =	sst s2  }
0xb: {  	[smem:$0x3FAD] =	sst s3  }
0xc: {  	[smem:$0x3FAE] =	sst s4  }
0xd: {  	[smem:$0x3FAF] =	sst s5  }
0xe: {  	[smem:$0x3FB0] =	sst s6  }
0xf: {  	[smem:$0x3FB1] =	sst s7  }
0x10: {  	[smem:$0x3FB2] =	sst s8  }
0x11: {  	[smem:$0x3FB3] =	sst s9;
	s0 =	simm.s32 @!p0 $0x0  }
0x12: {  	s1 =	sld [smem:$0x3F99];
	s0 =	simm.s32 @p0 $0x1  }
0x13: {  	[smem:$0x3FB4] =	sst s0;
	s0 =	simm.s32 @!p1 $0x0  }
0x14: {  	s2 =	sld [smem:$0x3F98];
	s0 =	simm.s32 @p1 $0x1  }
0x15: {  	[smem:$0x3FB5] =	sst s0;
	s0 =	simm.s32 @!p2 $0x0  }
0x16: {  	s3 =	sld [smem:$0x3FDB];
	s0 =	simm.s32 @p2 $0x1  }
0x17: {  	s4 =	simm.s32 $0x1BF5;
	[smem:$0x3FB7] =	sst s0  }
0x18: {  	s0 =	sld [smem:$0x3F9A];
	_ =	swait.ge [sflag:s4], $0x0  }
0x19: {  	s7 =	sld [smem:$0x3F9B]  }
0x1a: {  	s8 =	sadd.s32 $0xFFFFE003, lr  }
0x1b: {  	s9 =	sadd.s32 $0xFFFFFEF7, lr;
	s5 =	simm.s32 $0xFFFFFFFF;
	p2 =	slt.u32 s8, $0xFFFFF086  }
0x1c: {  	p1 =	slt.u32 s9, $0xF7A;
	s5 =	simm.s32 @!p2 $0x0  }
0x1d: {  	s5 =	simm.s32 @p1 $0x1;
	p0 =	seq.s32 s7, s2  }
0x1e: {  	s7 =	smul.u32 @!p0 $0xF7A, s2;
	p2 =	seq.s32 @!p0 s5, $0x0  }
0x1f: {  	s9 =	smul.u32 $0xF7A, s1;
	s8 =	simm.s32 @!p0 $0x1BF5;
	p2 =	por !p2, p0  }
0x20: {  	[sflag:s8] =	ssyncset.s32 @!p0 $0xFFFFF086;
	s6 =	sadd.s32 @!p0 s3, s7;
	s7 =	simm.s32 @!p0 $0x108  }
0x21: {  	s3 =	sadd.s32 s3, s9;
	s6 =	sadd.s32 @!p0 $0x88, s6;
	s7 =	simm.s32 @p2 $0x1082  }
0x22: {  	[simem:s7], [sflag:s8] =	dma.local @!p0 [hbm:s6], $0xF7A  }
0x23: {  	s9 =	sor.u32 $0xD0000000, s2;
	s6 =	simm.s32 $0x108;
	_ =	swait.ge @!p0 [sflag:s8], $0x0  }
0x24: {  	s3 =	sadd.s32 $0x88, s3;
	s6 =	simm.s32 @!p1 $0x1082;
	[sflag:s4] =	ssyncset.s32 $0xFFFFF086  }
0x25: {  	[simem:s6], [sflag:s4] =	dma.local [hbm:s3], $0xF7A  }
0x26: {  	[smem:$0x3F9B] =	sst s1;
	(tag) =	ssettag s2;
	_ =	strace s9  }
0x27: {  	s1 =	sld [smem:$0x3FAB]  }
0x28: {  	s2 =	sld [smem:$0x3FAC]  }
0x29: {  	s4 =	sld [smem:$0x3FAE]  }
0x2a: {  	p0 =	seq.s32 s5, $0x0;
	s5 =	sld [smem:$0x3FAF]  }
0x2b: {  	s6 =	sld [smem:$0x3FB0]  }
0x2c: {  	s7 =	sld [smem:$0x3FB1]  }
0x2d: {  	s3 =	simm.s32 $0x108;
	s8 =	sld [smem:$0x3FB2]  }
0x2e: {  	s3 =	simm.s32 @!p0 $0x1082;
	s9 =	sld [smem:$0x3FB3]  }
0x2f: {  	lr =	sadd.s32 s0, s3;
	s0 =	sld [smem:$0x3FAA]  }
0x30: {  	s3 =	sld [smem:$0x3FAD]  }
0x31: {  	[smem:$0x3FB6] =	sst s10  }
0x32: {  	s10 =	sld [smem:$0x3FB4];
	_ =	sdelay $0x3  }
0x33: {  	p0 =	seq.s32 s10, $0x1;
	s10 =	sld [smem:$0x3FB6];
	_ =	sdelay $0x3  }
0x34: {  	[smem:$0x3FB6] =	sst s10  }
0x35: {  	s10 =	sld [smem:$0x3FB5];
	_ =	sdelay $0x3  }
0x36: {  	p1 =	seq.s32 s10, $0x1;
	s10 =	sld [smem:$0x3FB6];
	_ =	sdelay $0x3  }
0x37: {  	[smem:$0x3FB6] =	sst s10  }
0x38: {  	s10 =	sld [smem:$0x3FB7]  }
0x39: {  	_ = 	snop;
	(pc) =	sbr.ind lr, $3  }
0x3a: {  	_ = 	snop  }
0x3b: {  	_ = 	snop  }
0x3c: {  	p2 =	seq.s32 s10, $0x1;
	s10 =	sld [smem:$0x3FB6]  }
0x3d: {  	_ =	shalt  }
0x3e: {  	_ =	shalt  }
0x3f: {  	_ =	shalt  }
0x40: {  	_ =	shalt  }
0x41: {  	_ =	shalt  }
0x42: {  	_ =	shalt  }
0x43: {  	_ =	shalt  }
0x44: {  	_ =	shalt  }
0x45: {  	_ =	shalt  }
0x46: {  	_ =	shalt  }
0x47: {  	_ =	shalt  }
0x48: {  	_ =	shalt  }
0x49: {  	_ =	shalt  }
0x4a: {  	_ =	shalt  }
0x4b: {  	_ =	shalt  }
0x4c: {  	_ =	shalt  }
0x4d: {  	_ =	shalt  }
0x4e: {  	_ =	shalt  }
0x4f: {  	_ =	shalt  }
0x50: {  	_ =	shalt  }
0x51: {  	_ =	shalt  }
0x52: {  	_ =	shalt  }
0x53: {  	_ =	shalt  }
0x54: {  	_ =	shalt  }
0x55: {  	_ =	shalt  }
0x56: {  	_ =	shalt  }
0x57: {  	_ =	shalt  }
0x58: {  	_ =	shalt  }
0x59: {  	_ =	shalt  }
0x5a: {  	_ =	shalt  }
0x5b: {  	_ =	shalt  }
0x5c: {  	_ =	shalt  }
0x5d: {  	_ =	shalt  }
0x5e: {  	_ =	shalt  }
0x5f: {  	_ =	shalt  }
0x60: {  	_ =	shalt  }
0x61: {  	_ =	shalt  }
0x62: {  	_ =	shalt  }
0x63: {  	_ =	shalt  }
0x64: {  	_ =	shalt  }
0x65: {  	_ =	shalt  }
0x66: {  	_ =	shalt  }
0x67: {  	_ =	shalt  }
0x68: {  	_ =	shalt  }
0x69: {  	_ =	shalt  }
0x6a: {  	_ =	shalt  }
0x6b: {  	_ =	shalt  }
0x6c: {  	_ =	shalt  }
0x6d: {  	_ =	shalt  }
0x6e: {  	_ =	shalt  }
0x6f: {  	_ =	shalt  }
0x70: {  	_ =	shalt  }
0x71: {  	_ =	shalt  }
0x72: {  	_ =	shalt  }
0x73: {  	_ =	shalt  }
0x74: {  	_ =	shalt  }
0x75: {  	_ =	shalt  }
0x76: {  	_ =	shalt  }
0x77: {  	_ =	shalt  }
0x78: {  	_ =	shalt  }
0x79: {  	_ =	shalt  }
0x7a: {  	_ =	shalt  }
0x7b: {  	_ =	shalt  }
0x7c: {  	_ =	shalt  }
0x7d: {  	_ =	shalt  }
0x7e: {  	_ =	shalt  }
0x7f: {  	_ =	shalt  }
0x80: {  	_ =	shalt  }
0x81: {  	_ =	shalt  }
0x82: {  	_ =	shalt  }
0x83: {  	_ =	shalt  }
0x84: {  	_ =	shalt  }
0x85: {  	_ =	shalt  }
0x86: {  	_ =	shalt  }
0x87: {  	_ =	shalt  }
.Lfunc_end0:
.L_simem_size_0:
called_computation_lowered:
.L_overlay_start_0:
0x88: {  	s2 =	sld [smem:$0x3FD9]  }
0x89: {  	s3 =	sld [smem:$0x3FFE];
	_ =	sdelay $0x1  }
0x8a: {  	s1 =	srdreg.scid  }
0x8b: {  	s0 =	sand.u32 $0x1, s1  }
0x8c: {  	s17 =	sshll.u32 s0, $0xA;
	s2 =	sadd.s32 s3, s2  }
0x8d: {  	s2 =	sadd.s32 s2, s17  }
0x8e: {  	[smem:$0x3FC2] =	sst s2  }
0x8f: {  	_ = 	snop  }
0x90: {  	s2 =	sld [smem:$0x3FD0];
	(tm) =	ssettm $0x1  }
0x91: {  	s18 =	sld [smem:$0x3FFB];
	_ =	sdelay $0x3  }
0x92: {  	_ =	strace s18  }
0x93: {  	s3 =	sld [smem:$0x3FFC];
	_ =	sdelay $0x3  }
0x94: {  	_ =	strace s3  }
0x95: {  	s3 =	sld [smem:$0x3FFD];
	_ =	sdelay $0x3  }
0x96: {  	_ =	strace s3  }
0x97: {  	_ =	strace $0x8FFFFFFF  }
0x98: {  	s19 =	sld [smem:$0x3FDB];
	_ =	sdelay $0x1  }
0x99: {  	s4 =	simm.s32 $_scs_section_size  }
0x9a: {  	s5 =	simm.s32 $_size__tile_overlayer_lowered;
	s6 =	simm.s32 $_tile_overlayer_lowered  }
0x9b: {  	s22 =	simm.s32 $0x1BFF;
	s21 =	sshll.u32 s6, $0x1;
	s3 =	sadd.s32 s4, s19  }
0x9c: {  	s7 =	simm.s32 $0x0;
	s20 =	sshll.u32 s5, $0x1;
	s5 =	sadd.s32 s21, s3  }
0x9d: {  	[timem:s7], [sflag:s22] =	dma.local [hbm:s5], s20  }
0x9e: {  	_ =	swait.ge [sflag:s22], s20  }
0x9f: {  	s4 =	ssub.s32 $0x0, s20;
	[sflag:s22] =	ssyncset.done $0x0  }
0xa0: {  	[sflag:s22] =	ssyncadd.s32 s4;
	_ =	sdelay $0x1  }
0xa1: {  	s23 =	simm.s32 $0x1B8B  }
0xa2: {  	_ =	swait.ge [sflag:s23], $0x1  }
0xa3: {  	[sflag:s23] =	ssyncset.done $0x0  }
0xa4: {  	s25 =	simm.s32 $0x1B8E;
	s24 =	sld [smem:$0x3FFE];
	[sflag:s23] =	ssyncadd.s32 $0xFFFFFFFF  }
0xa5: {  	s26 =	simm.s32 $execute0_lowered;
	[smem:$0x3FD2] =	sst s25  }
0xa6: {  	s5 =	sshll.u32 s26, $0x1;
	_ =	strace $0x80000046;
	[dreg:$0x1] =	wrdreg $0xFFFFFFFF  }
0xa7: {  	s28 =	simm.s32 $_size_execute0_lowered;
	s3 =	sadd.s32 s3, s5;
	[dreg:$0x0] =	wrdreg $0x0  }
0xa8: {  	s5 =	sshll.u32 s28, $0x1;
	[dreg:$0x2] =	wrdreg s3  }
0xa9: {  	[dreg:$0x3] =	wrdreg s5  }
0xaa: {  	[dreg:$0x4] =	wrdreg $0xC0  }
0xab: {  	_ =	task [dreg:s7], $0x5FFFF  }
0xac: {  	[dreg:$0x1] =	wrdreg $0xFFFFFFFF  }
0xad: {  	[dreg:$0x0] =	wrdreg $0x60  }
0xae: {  	[dreg:$0x2] =	wrdreg s24  }
0xaf: {  	[dreg:$0x3] =	wrdreg s2  }
0xb0: {  	[dreg:$0x4] =	wrdreg $0x30800  }
0xb1: {  	[dreg:$0x5] =	wrdreg $0x9  }
0xb2: {  	_ =	task.clear_ibuf [dreg:s7], $0x6FFFF;
	_ =	strace $0x90000046  }
0xb3: {  	s29 =	simm.s32 $0x9;
	_ =	strace $0x80000048  }
0xb4: {  	_ =	swait.ge [sflag:s29], $0x1  }
0xb5: {  	[sflag:s29] =	ssyncadd.s32 $0xFFFFFFFF  }
0xb6: {  	_ =	strace $0x90000048  }
0xb7: {  	_ =	sfence  }
0xb8: {  	s30 =	sld [smem:$0x0];
	_ =	sdelay $0x2  }
0xb9: {  	s31 =	sshll.u32 s1, $0xD;
	s1 =	sshrl.u32 s1, $0x2  }
0xba: {  	s3 =	sand.u32 $0x4000, s31;
	s1 =	sadd.s32 s1, s30  }
0xbb: {  	s0 =	sor.u32 s3, s0;
	s1 =	sshll.u32 s1, $0x11  }
0xbc: {  	s0 =	sor.u32 s1, s0  }
0xbd: {  	s0 =	sadd.s32 $0x8F2B, s0  }
0xbe: {  	[sflag:s0] =	ssyncadd.remote.s32 $0x1  }
0xbf: {  	_ =	sfence.sel $0xFFFF  }
0xc0: {  	[dreg:$0x0] =	wrdreg $0xFFFFFFFF;
	(pc) =	sbr.abs _section_cstart, $3  }
0xc1: {  	[dreg:$0x1] =	wrdreg $0xFFFFFFFF  }
0xc2: {  	_ =	task.clear_ibuf [dreg:s7], $0x2FFFF;
	_ =	strace $0x9FFFFFFF  }
0xc3: {  	(tm) =	ssettm $0x7FFFFFFF  }
tec
execute0_lowered:
.L_overlay_start_1:
0x0: {  	(tag) =	ssettag $0x1  }
0x1: {  	s6 =	rddreg [dreg:$0x0]  }
0x2: {  	s8 =	rddreg [dreg:$0x1]  }
0x3: {  	s2 =	rddreg [dreg:$0x2]  }
0x4: {  	s0 =	rddreg [dreg:$0x3]  }
0x5: {  	s3 =	simm.s32 $0x0;
	s4 =	srdreg.scid;
	s1 =	stileid.u32  }
0x6: {  	s14 =	simm.s32 $0x880;
	s15 =	simm.s32 $0x0;
	[smem:$0x7FF] =	sst s3  }
0x7: {  	s10 =	sand.u32 $0x1, s4;
	s7 =	smul.u32 $0x2800, s1;
	s4 =	sadd.s32 $0xC000, s6  }
0x8: {  	s5 =	sadd.s32 $0x16400, s6;
	s6 =	sadd.s32 $0x15E00, s6;
	s29 =	sshll.u32 s1, $0x1  }
0x9: {  	s31 =	sshll.u32 s1, $0x8;
	s9 =	ssub.s32 $0x2, s10;
	s11 =	smul.u32 $0x28000, s10  }
0xa: {  	_ =	strace $0x80000047;
	s30 =	sor.u32 s29, s10;
	s12 =	sshrl.u32 s9, $0x1  }
0xb: {  	s13 =	sshll.u32 s10, $0x7;
	s9 =	ssub.s32 s9, s12;
	s11 =	sadd.s32 s7, s11  }
0xc: {  	s7 =	sadd.s32 s7, s2;
	s12 =	simm.s32 $0x80;
	s11 =	sshrl.u32 s11, $0x3  }
0xd: {  	s9 =	smax.u32 s9, $0x1;
	s8 =	sadd.s32 s8, s11;
	s11 =	ssub.s32 $0x9E3, s30  }
0xe: {  	s10 =	sshrl.u32 s11, $0x5;
	s11 =	sor.u32 s13, s31;
	s13 =	simm.s32 $0x1  }
.LBB2_1:
0xf: {  	[tilespmem:s12], [sflag:$0x1] =	stream.linear.gather [hbm4b:s5+s3], $0x800, $0x38;
	[tilespmem:$0x5880] =	vst v63  }
0x10: {  	_ =	swait.ge [sflag:s13], $0x800  }
0x11: {  	[sflag:s13] =	ssyncset.done $0x0  }
0x12: {  	[sflag:s13] =	ssyncadd.s32 $0xFFFFF800  }
0x13: {  	[tilespmem:s14], [sflag:$0x1] =	stream.linear.gather [hbm4b:s6+s3], $0x2800, $0x38;
	[tilespmem:$0x5880] =	vst v63  }
0x14: {  	_ =	swait.ge [sflag:s13], $0x2800  }
0x15: {  	[sflag:s13] =	ssyncset.done $0x0  }
0x16: {  	p1 =	sne.s32 s10, $0x1;
	[sflag:s13] =	ssyncadd.s32 $0xFFFFD800  }
0x17: {  	[spmem:s7] =	stream.linear.scatter [tilespmem:s14], [sflag:$0x1], $0x2800, $0x38;
	[tilespmem:$0x5880] =	vst v63  }
.Ltmp0:
0x18: {  	_ =	swait.ge [sflag:s13], $0x2800;
	(pc) =	sbr.rel @!p1 .LBB2_4-.Ltmp0, $4  }
0x19: {  	[sflag:s13] =	ssyncset.done $0x0  }
0x1a: {  	[sflag:s13] =	ssyncadd.s32 $0xFFFFD800  }
0x1b: {  	[bflag:$0x0] =	sbarrier.arrive $0xFFFF  }
0x1c: {  	s16 =	sadd.s32 $0xFFFFFFFF, s10;
	s18 =	sshrl.u32 s11, $0x3;
	p0 =	por $0x0, $0x0  }
0x1d: {  	s17 =	sadd.s32 s4, s18  }
0x1e: {  	[tilespmem:s3], [sflag:$0x1] =	stream.linear.gather [hbm4b:s17+s3], $0x80, $0x38;
	[tilespmem:$0x5880] =	vst v63  }
0x1f: {  	p1 =	sne.s32 s16, $0x1;
	_ =	swait.ge [sflag:s13], $0x80  }
.Ltmp1:
0x20: {  	[sflag:s13] =	ssyncset.done $0x0;
	(pc) =	sbr.rel @!p1 .LBB2_4-.Ltmp1, $4  }
0x21: {  	[sflag:s13] =	ssyncadd.s32 $0xFFFFFF80  }
0x22: {  	[spmem:s2] =	stream.indirect.scatter.add.f32 [tilespmem:s12], [sflag:$0x1], $0x10, s3, s12, $0xb8;
	[tilespmem:$0x5880] =	vst v63  }
0x23: {  	s16 =	sadd.s32 $0xFFFFFFFF, s16;
	s17 =	sadd.s32 $0x1000, s11;
	_ =	swait.ge [sflag:s13], $0x800  }
0x24: {  	p0 =	por $0x1, $0x1;
	s18 =	sshrl.u32 s17, $0x3;
	[sflag:s13] =	ssyncset.done $0x0  }
.LBB2_3:
0x25: {  	p1 =	sne.s32 s16, $0x1;
	s18 =	sadd.s32 s4, s18;
	[sflag:s13] =	ssyncadd.s32 $0xFFFFF800  }
0x26: {  	[tilespmem:s3], [sflag:$0x1] =	stream.linear.gather [hbm4b:s18+s3], $0x80, $0x38;
	[tilespmem:$0x5880] =	vst v63  }
0x27: {  	s16 =	sadd.s32 $0xFFFFFFFF, s16;
	_ =	swait.ge [sflag:s13], $0x80  }
.Ltmp2:
0x28: {  	[sflag:s13] =	ssyncset.done $0x0;
	(pc) =	sbr.rel @p1 .LBB2_3-.Ltmp2, $4  }
0x29: {  	[sflag:s13] =	ssyncadd.s32 $0xFFFFFF80  }
0x2a: {  	[spmem:s2] =	stream.indirect.scatter.add.f32 [tilespmem:s12], [sflag:$0x1], $0x10, s3, s12, $0xb8;
	[tilespmem:$0x5880] =	vst v63  }
0x2b: {  	s17 =	sadd.s32 $0x1000, s17;
	_ =	swait.ge [sflag:s13], $0x800  }
0x2c: {  	s18 =	sshrl.u32 s17, $0x3;
	[sflag:s13] =	ssyncset.done $0x0  }
.LBB2_4:
0x2d: {  	s16 =	sadd.s32 s4, s18;
	[sflag:s13] =	ssyncadd.s32 @p0 $0xFFFFF800  }
0x2e: {  	[tilespmem:s3], [sflag:$0x1] =	stream.linear.gather [hbm4b:s16+s3], $0x80, $0x38;
	[tilespmem:$0x5880] =	vst v63  }
0x2f: {  	_ =	swait.ge [sflag:s13], $0x80  }
0x30: {  	[sflag:s13] =	ssyncset.done $0x0  }
0x31: {  	[sflag:s13] =	ssyncadd.s32 $0xFFFFFF80  }
0x32: {  	[spmem:s2] =	stream.indirect.scatter.add.f32 [tilespmem:s12], [sflag:$0x1], $0x10, s3, s12, $0xb8;
	[tilespmem:$0x5880] =	vst v63  }
0x33: {  	_ =	swait.ge [sflag:s13], $0x800  }
0x34: {  	[sflag:s13] =	ssyncset.done $0x0  }
0x35: {  	[sflag:s13] =	ssyncadd.s32 $0xFFFFF800  }
0x36: {  	[bflag:$0x0] =	sbarrier.arrive $0xFFFF  }
0x37: {  	[tilespmem:s14], [sflag:$0x1] =	stream.linear.gather [spmem:s7], $0x2800, $0x38;
	[tilespmem:$0x5880] =	vst v63  }
0x38: {  	s15 =	sadd.s32 $0x1, s15;
	_ =	swait.ge [sflag:s13], $0x2800  }
0x39: {  	p0 =	sne.s32 s15, s9;
	[sflag:s13] =	ssyncset.done $0x0  }
.Ltmp3:
0x3a: {  	[sflag:s13] =	ssyncadd.s32 $0xFFFFD800;
	(pc) =	sbr.rel @p0 .LBB2_1-.Ltmp3, $4  }
0x3b: {  	[hbm4b:s8+s3] =	stream.linear.scatter [tilespmem:s14], [sflag:$0x1], $0x2800, $0x38;
	[tilespmem:$0x5880] =	vst v63  }
0x3c: {  	_ =	swait.ge [sflag:s13], $0x2800  }
0x3d: {  	[sflag:s13] =	ssyncset.done $0x0  }
0x3e: {  	[sflag:s13] =	ssyncadd.s32 $0xFFFFD800  }
0x3f: {  	_ =	sfence.sel $0x180000  }
0x40: {  	[bflag:$0x0] =	sbarrier.arrive $0xFFFF  }
0x41: {  	p0 =	sne.s32 s1, $0x0;
	_ =	strace $0x90000047  }
0x42: {  	s0 =	sadd.s32 @!p0 $0x100000, s0;
	[bflag:$0x2] =	sbarrier.arrive $0xFFFF  }
0x43: {  	[sflag:s0] =	ssyncadd.tile.s32 @!p0 $0x1;
	_ =	shalt  }
.Lfunc_end2:
_tile_overlayer_lowered:
.L_overlay_start_2:
0x44: {  	(tag) =	ssettag $0x2  }
0x45: {  	s0 =	rddreg [dreg:$0x0];
	s2 =	stileid.u32  }
0x46: {  	s1 =	rddreg [dreg:$0x1];
	p0 =	sne.s32 s2, $0x0  }
0x47: {  	s3 =	rddreg [dreg:$0x2];
	[bflag:$0x3] =	sbarrier.arrive $0xFFFF;
	s2 =	simm.s32 @!p0 $0x1C01  }
0x48: {  	[timem:s3], [sflag:s2] =	dma.local @!p0 [hbm:s0], s1  }
0x49: {  	s0 =	simm.s32 @!p0 $0x1  }
0x4a: {  	_ =	swait.ge @!p0 [sflag:s0], s1  }
0x4b: {  	s1 =	ssub.s32 @!p0 $0x0, s1;
	[sflag:s0] =	ssyncset.done @!p0 $0x0  }
0x4c: {  	[sflag:s0] =	ssyncadd.s32 @!p0 s1  }
0x4d: {  	[bflag:$0x3] =	sbarrier.arrive $0xFFFF  }
0x4e: {  	_ =	shalt  }

</sc_bundles>
